<compile_context>
chip_gen: v7x
topology: tpu7x:2x2x1
jax: 0.10.2.dev20260603
libtpu: 0.0.44.dev20260713+nightly
codegen_flags: <defaults>
</compile_context>

<pallas_src>
import functools

import jax
import jax.numpy as jnp
from jax import lax
from jax.experimental import pallas as pl
from jax.experimental.pallas import tpu as pltpu
from jax.experimental.pallas import tpu_sc as plsc

EMB = 128
EDGES = 320000
NC, NS = 2, 16
NW = NC * NS
PER_W = EDGES // NW
CHUNK = 200
NCH = PER_W // CHUNK
SUBS = ((0, 128), (128, 72))
TROWS = 776


def _build_table(W0, W1, W2):

    def body(w0, w1, w2, t):
        def onehot(n, row_of_i):
            i = lax.broadcasted_iota(jnp.int32, (TROWS, n), 0)
            j = lax.broadcasted_iota(jnp.int32, (TROWS, n), 1)
            return (row_of_i(i) == j).astype(jnp.float32)

        a0 = onehot(10, lambda i: i // 77)
        a1 = onehot(11, lambda i: (i // 7) % 11)
        a2 = onehot(7, lambda i: i % 7)
        t[...] = (
            jnp.dot(a0, w0[...], preferred_element_type=jnp.float32, precision=lax.Precision.HIGHEST)
            + jnp.dot(a1, w1[...], preferred_element_type=jnp.float32, precision=lax.Precision.HIGHEST)
            + jnp.dot(a2, w2[...], preferred_element_type=jnp.float32, precision=lax.Precision.HIGHEST)
        )

    return pl.pallas_call(
        body,
        out_shape=jax.ShapeDtypeStruct((TROWS, EMB), jnp.float32),
    )(W0, W1, W2)


_MESH = plsc.VectorSubcoreMesh(core_axis_name="c", subcore_axis_name="s")


@functools.partial(
    pl.kernel,
    mesh=_MESH,
    out_type=jax.ShapeDtypeStruct((EDGES, EMB), jnp.float32),
    scratch_types=[
        pltpu.VMEM((PER_W,), jnp.int32),
        pltpu.VMEM((PER_W,), jnp.int32),
        pltpu.VMEM((PER_W,), jnp.int32),
        pltpu.VMEM((PER_W,), jnp.int32),
        pltpu.VMEM((CHUNK, EMB), jnp.float32),
        pltpu.VMEM((CHUNK, EMB), jnp.float32),
        pltpu.SemaphoreType.DMA,
        pltpu.SemaphoreType.DMA,
        pltpu.SemaphoreType.DMA,
        pltpu.SemaphoreType.DMA,
        pltpu.VMEM_SHARED((TROWS, EMB), jnp.float32),
    ],
)
def _sc_lookup(a0_hbm, a1_hbm, a2_hbm, t_hbm, out_hbm,
               a0_v, a1_v, a2_v, idx_v, rows0_v, rows1_v,
               gsem0, gsem1, wsem0, wsem1, t_sh):
    sid = lax.axis_index("s")
    wid = sid * NC + lax.axis_index("c")
    base = wid * PER_W

    @pl.when(sid == 0)
    def _stage_table():
        pltpu.sync_copy(t_hbm, t_sh)

    cols = [
        pltpu.async_copy(src.at[pl.ds(base, PER_W)], dst, gsem0)
        for src, dst in ((a0_hbm, a0_v), (a1_hbm, a1_v), (a2_hbm, a2_v))
    ]
    for cp in cols:
        cp.wait()

    def vec_body(i, carry):
        s = pl.ds(i * 16, 16)
        idx_v[s] = a0_v[s] * 77 + a1_v[s] * 7 + a2_v[s]
        return carry

    HEAD = 2 * CHUNK // 16
    lax.fori_loop(0, HEAD, vec_body, 0)
    plsc.subcore_barrier()

    def issue_gathers(c, buf, sem):
        r0 = c * CHUNK
        return [
            pltpu.async_copy(
                t_sh.at[idx_v.at[pl.ds(r0 + off, n)]],
                buf.at[pl.ds(off, n), :],
                sem,
            )
            for off, n in SUBS
        ]

    def issue_write(c, buf, sem):
        pltpu.async_copy(buf, out_hbm.at[pl.ds(base + c * CHUNK, CHUNK), :], sem)

    def wait_write(buf, sem):
        pltpu.make_async_copy(buf, out_hbm.at[pl.ds(base, CHUNK), :], sem).wait()

    def do_pair(k, first):
        c = 2 * k
        if not first:
            wait_write(rows0_v, wsem0)
        g0 = issue_gathers(c, rows0_v, gsem0)
        if not first:
            wait_write(rows1_v, wsem1)
        g1 = issue_gathers(c + 1, rows1_v, gsem1)
        for cp in g0:
            cp.wait()
        issue_write(c, rows0_v, wsem0)
        for cp in g1:
            cp.wait()
        issue_write(c + 1, rows1_v, wsem1)

    g0 = issue_gathers(0, rows0_v, gsem0)
    g1 = issue_gathers(1, rows1_v, gsem1)
    lax.fori_loop(HEAD, PER_W // 16, vec_body, 0)
    for cp in g0:
        cp.wait()
    issue_write(0, rows0_v, wsem0)
    for cp in g1:
        cp.wait()
    issue_write(1, rows1_v, wsem1)

    def pair_body(k, carry):
        do_pair(k, first=False)
        return carry

    lax.fori_loop(1, NCH // 2, pair_body, 0)
    wait_write(rows0_v, wsem0)
    wait_write(rows1_v, wsem1)


def kernel(edge_attr, W0, W1, W2):
    ea = edge_attr.astype(jnp.int32)
    t = _build_table(W0, W1, W2)
    return _sc_lookup(ea[:, 0], ea[:, 1], ea[:, 2], t)

# --- scband reference (transcript-rebuilt; emitter-appended) ---
"""Pipeline reference for scband-bricsbond-encoder-58007828300376 (READ-ONLY COPY).

The authoritative reference and input builder live on the scoring server;
editing this copy changes nothing except your own understanding.
"""

import jax, jax.numpy as jnp
import numpy as np

FULL_BOND_FEATURE_DIMS = [5, 6, 2]  # OGB get_bond_feature_dims()
EMB_DIM = 128
E = 320000


def setup_inputs(seed: int = 0) -> dict:
    key = jax.random.key(seed)
    k_idx, k0, k1, k2 = jax.random.split(key, 4)
    edge_attr = jax.random.randint(k_idx, (E, 3), 0, 7, dtype=jnp.int64)
    # Xavier-uniform initialized embedding tables, sizes dim + 5
    def xavier(k, n, d):
        limit = float(np.sqrt(6.0 / (n + d)))
        return jax.random.uniform(k, (n, d), minval=-limit, maxval=limit, dtype=jnp.float32)
    W0 = xavier(k0, FULL_BOND_FEATURE_DIMS[0] + 5, EMB_DIM)
    W1 = xavier(k1, FULL_BOND_FEATURE_DIMS[1] + 5, EMB_DIM)
    W2 = xavier(k2, FULL_BOND_FEATURE_DIMS[2] + 5, EMB_DIM)
    return {"edge_attr": edge_attr, "W0": W0, "W1": W1, "W2": W2}


def reference(edge_attr, W0, W1, W2):
    # bond_embedding = sum_i emb_i(edge_attr[:, i])
    bond_embedding = jnp.take(W0, edge_attr[:, 0], axis=0)
    bond_embedding = bond_embedding + jnp.take(W1, edge_attr[:, 1], axis=0)
    bond_embedding = bond_embedding + jnp.take(W2, edge_attr[:, 2], axis=0)
    return bond_embedding

if __name__ == "__main__":
    import jax
    _d = setup_inputs()
    print(jax.jit(kernel)(*tuple(_d.values())))

</pallas_src>

<mosaic_0001>
#map = affine_map<(d0, d1) -> (0)>
#map1 = affine_map<(d0, d1) -> (0, 0)>
module attributes {stable_mosaic.version = 14 : i64} {
  func.func @_sc_lookup(%arg0: i32, %arg1: i32, %arg2: memref<320000xi32, #tpu.memory_space<hbm>>, %arg3: memref<320000xi32, #tpu.memory_space<hbm>>, %arg4: memref<320000xi32, #tpu.memory_space<hbm>>, %arg5: memref<776x128xf32, #tpu.memory_space<hbm>>, %arg6: memref<320000x128xf32, #tpu.memory_space<hbm>>, %arg7: memref<10000xi32, #tpu.memory_space<vmem>>, %arg8: memref<10000xi32, #tpu.memory_space<vmem>>, %arg9: memref<10000xi32, #tpu.memory_space<vmem>>, %arg10: memref<10000xi32, #tpu.memory_space<vmem>>, %arg11: memref<200x128xf32, #tpu.memory_space<vmem>>, %arg12: memref<200x128xf32, #tpu.memory_space<vmem>>, %arg13: memref<!tpu.dma_semaphore, #tpu.memory_space<semaphore_mem>>, %arg14: memref<!tpu.dma_semaphore, #tpu.memory_space<semaphore_mem>>, %arg15: memref<!tpu.dma_semaphore, #tpu.memory_space<semaphore_mem>>, %arg16: memref<!tpu.dma_semaphore, #tpu.memory_space<semaphore_mem>>, %arg17: memref<776x128xf32, #tpu.memory_space<vmem_shared>>) attributes {dimension_semantics = [#tpu.dimension_semantics<core_parallel>, #tpu.dimension_semantics<subcore_parallel>], iteration_bounds = array<i64: 2, 16>, scalar_prefetch = 0 : i64, scratch_operands = 11 : i64, tpu.core_type = #tpu.core_type<sc_vector_subcore>, window_params = [{transform_indices = #map}, {transform_indices = #map}, {transform_indices = #map}, {transform_indices = #map1}, {transform_indices = #map1}]} {
    %mul3A = arith.constant 2 : i32
    %mul3A_0 = arith.muli %arg1, %mul3A : i32
    %add3A = arith.addi %mul3A_0, %arg0 : i32
    %mul3A_1 = arith.constant 10000 : i32
    %mul3A_2 = arith.muli %add3A, %mul3A_1 : i32
    %eq3A = arith.constant 0 : i32
    %eq3A_3 = arith.cmpi eq, %arg1, %eq3A : i32
    %convert_element_type3A = arith.extui %eq3A_3 : i1 to i32
    %cond3A = arith.constant 0 : i32
    %cond3A_4 = arith.cmpi ne, %convert_element_type3A, %cond3A : i32
    scf.if %cond3A_4 {
      "tpu.region"() ({
        %run_scoped3A = tpu.sem_alloc : memref<!tpu.dma_semaphore, #tpu.memory_space<semaphore_mem>>
        tpu.enqueue_dma source(%arg5 : memref<776x128xf32, #tpu.memory_space<hbm>>) target(%arg17 : memref<776x128xf32, #tpu.memory_space<vmem_shared>>) target_semaphore(%run_scoped3A : memref<!tpu.dma_semaphore, #tpu.memory_space<semaphore_mem>>)
        tpu.wait_dma2 semaphore(%run_scoped3A : memref<!tpu.dma_semaphore, #tpu.memory_space<semaphore_mem>>) src(%arg5 : memref<776x128xf32, #tpu.memory_space<hbm>>) dst(%arg17 : memref<776x128xf32, #tpu.memory_space<vmem_shared>>)
        tpu.yield
      }) : () -> ()
    } else {
    }
    %dma_start3A = tpu.memref_slice %arg2[%mul3A_2] : memref<320000xi32, #tpu.memory_space<hbm>> -> memref<10000xi32, #tpu.memory_space<hbm>>
    %dma_start3A_5 = tpu.memref_slice %arg2[%mul3A_2] : memref<320000xi32, #tpu.memory_space<hbm>> -> memref<10000xi32, #tpu.memory_space<hbm>>
    tpu.enqueue_dma source(%dma_start3A_5 : memref<10000xi32, #tpu.memory_space<hbm>>) target(%arg7 : memref<10000xi32, #tpu.memory_space<vmem>>) target_semaphore(%arg13 : memref<!tpu.dma_semaphore, #tpu.memory_space<semaphore_mem>>)
    %dma_start3A_6 = tpu.memref_slice %arg3[%mul3A_2] : memref<320000xi32, #tpu.memory_space<hbm>> -> memref<10000xi32, #tpu.memory_space<hbm>>
    %dma_start3A_7 = tpu.memref_slice %arg3[%mul3A_2] : memref<320000xi32, #tpu.memory_space<hbm>> -> memref<10000xi32, #tpu.memory_space<hbm>>
    tpu.enqueue_dma source(%dma_start3A_7 : memref<10000xi32, #tpu.memory_space<hbm>>) target(%arg8 : memref<10000xi32, #tpu.memory_space<vmem>>) target_semaphore(%arg13 : memref<!tpu.dma_semaphore, #tpu.memory_space<semaphore_mem>>)
    %dma_start3A_8 = tpu.memref_slice %arg4[%mul3A_2] : memref<320000xi32, #tpu.memory_space<hbm>> -> memref<10000xi32, #tpu.memory_space<hbm>>
    %dma_start3A_9 = tpu.memref_slice %arg4[%mul3A_2] : memref<320000xi32, #tpu.memory_space<hbm>> -> memref<10000xi32, #tpu.memory_space<hbm>>
    tpu.enqueue_dma source(%dma_start3A_9 : memref<10000xi32, #tpu.memory_space<hbm>>) target(%arg9 : memref<10000xi32, #tpu.memory_space<vmem>>) target_semaphore(%arg13 : memref<!tpu.dma_semaphore, #tpu.memory_space<semaphore_mem>>)
    %dma_wait3A = tpu.memref_slice %arg2[%mul3A_2] : memref<320000xi32, #tpu.memory_space<hbm>> -> memref<10000xi32, #tpu.memory_space<hbm>>
    %dma_wait3A_10 = tpu.memref_slice %arg2[%mul3A_2] : memref<320000xi32, #tpu.memory_space<hbm>> -> memref<10000xi32, #tpu.memory_space<hbm>>
    tpu.wait_dma2 semaphore(%arg13 : memref<!tpu.dma_semaphore, #tpu.memory_space<semaphore_mem>>) src(%dma_wait3A_10 : memref<10000xi32, #tpu.memory_space<hbm>>) dst(%arg7 : memref<10000xi32, #tpu.memory_space<vmem>>)
    %dma_wait3A_11 = tpu.memref_slice %arg3[%mul3A_2] : memref<320000xi32, #tpu.memory_space<hbm>> -> memref<10000xi32, #tpu.memory_space<hbm>>
    %dma_wait3A_12 = tpu.memref_slice %arg3[%mul3A_2] : memref<320000xi32, #tpu.memory_space<hbm>> -> memref<10000xi32, #tpu.memory_space<hbm>>
    tpu.wait_dma2 semaphore(%arg13 : memref<!tpu.dma_semaphore, #tpu.memory_space<semaphore_mem>>) src(%dma_wait3A_12 : memref<10000xi32, #tpu.memory_space<hbm>>) dst(%arg8 : memref<10000xi32, #tpu.memory_space<vmem>>)
    %dma_wait3A_13 = tpu.memref_slice %arg4[%mul3A_2] : memref<320000xi32, #tpu.memory_space<hbm>> -> memref<10000xi32, #tpu.memory_space<hbm>>
    %dma_wait3A_14 = tpu.memref_slice %arg4[%mul3A_2] : memref<320000xi32, #tpu.memory_space<hbm>> -> memref<10000xi32, #tpu.memory_space<hbm>>
    tpu.wait_dma2 semaphore(%arg13 : memref<!tpu.dma_semaphore, #tpu.memory_space<semaphore_mem>>) src(%dma_wait3A_14 : memref<10000xi32, #tpu.memory_space<hbm>>) dst(%arg9 : memref<10000xi32, #tpu.memory_space<vmem>>)
    %scan3A = arith.constant 0 : i32
    %scan3A_15 = arith.constant 0 : i32
    %scan3A_16 = arith.constant 25 : i32
    %scan3A_17 = arith.addi %scan3A_15, %scan3A_16 : i32
    %scan3A_18 = arith.constant 1 : i32
    scf.for %scan3A_116 = %scan3A_15 to %scan3A_17 step %scan3A_18  : i32 {
      %mul3A_117 = arith.constant 16 : i32
      %mul3A_118 = arith.muli %scan3A_116, %mul3A_117 : i32
      %get3A = arith.index_cast %mul3A_118 : i32 to index
      %get3A_119 = tpu.vector_load %arg7[%get3A] {strides = array<i32>} : memref<10000xi32, #tpu.memory_space<vmem>>, vector<16xi32>,
      %get3A_120 = vector.shape_cast %get3A_119 : vector<16xi32> to vector<16xi32>
      %mul3A_121 = arith.constant 77 : i32
      %mul3A_122 = vector.broadcast %mul3A_121 : i32 to vector<16xi32>
      %mul3A_123 = arith.muli %get3A_120, %mul3A_122 : vector<16xi32>
      %get3A_124 = arith.index_cast %mul3A_118 : i32 to index
      %get3A_125 = tpu.vector_load %arg8[%get3A_124] {strides = array<i32>} : memref<10000xi32, #tpu.memory_space<vmem>>, vector<16xi32>,
      %get3A_126 = vector.shape_cast %get3A_125 : vector<16xi32> to vector<16xi32>
      %mul3A_127 = arith.constant 7 : i32
      %mul3A_128 = vector.broadcast %mul3A_127 : i32 to vector<16xi32>
      %mul3A_129 = arith.muli %get3A_126, %mul3A_128 : vector<16xi32>
      %add3A_130 = arith.addi %mul3A_123, %mul3A_129 : vector<16xi32>
      %get3A_131 = arith.index_cast %mul3A_118 : i32 to index
      %get3A_132 = tpu.vector_load %arg9[%get3A_131] {strides = array<i32>} : memref<10000xi32, #tpu.memory_space<vmem>>, vector<16xi32>,
      %get3A_133 = vector.shape_cast %get3A_132 : vector<16xi32> to vector<16xi32>
      %add3A_134 = arith.addi %add3A_130, %get3A_133 : vector<16xi32>
      %swap3A = arith.index_cast %mul3A_118 : i32 to index
      %swap3A_135 = tpu.vector_load %arg10[%swap3A] {strides = array<i32>} : memref<10000xi32, #tpu.memory_space<vmem>>, vector<16xi32>,
      %swap3A_136 = vector.shape_cast %swap3A_135 : vector<16xi32> to vector<16xi32>
      %swap3A_137 = vector.shape_cast %add3A_134 : vector<16xi32> to vector<16xi32>
      tpu.vector_store %arg10[%swap3A], %swap3A_137 {strides = array<i32>} : memref<10000xi32, #tpu.memory_space<vmem>>, vector<16xi32>,
    }
    %scan3A_19 = arith.constant 25 : i32
    %barrier3A = arith.constant 0 : index
    tpu.barrier barrier_id(%barrier3A)
    %dma_start3A_20 = arith.constant 0 : i32
    %dma_start3A_21 = arith.constant 0 : i32
    %dma_start3A_22 = tpu.memref_slice %arg11[%dma_start3A_20, %dma_start3A_21] : memref<200x128xf32, #tpu.memory_space<vmem>> -> memref<128x128xf32, #tpu.memory_space<vmem>>
    %dma_start3A_23 = arith.constant 0 : i32
    %dma_start3A_24 = tpu.memref_slice %arg10[%dma_start3A_23] : memref<10000xi32, #tpu.memory_space<vmem>> -> memref<128xi32, #tpu.memory_space<vmem>>
    %dma_start3A_25 = arith.constant 0 : i32
    %dma_start3A_26 = arith.constant 0 : i32
    %dma_start3A_27 = tpu.memref_slice %arg17[%dma_start3A_25, %dma_start3A_26] : memref<776x128xf32, #tpu.memory_space<vmem_shared>> -> memref<776x128xf32, #tpu.memory_space<vmem_shared>>
    tpu.enqueue_indirect_dma source(%dma_start3A_27 : memref<776x128xf32, #tpu.memory_space<vmem_shared>>) target(%dma_start3A_22 : memref<128x128xf32, #tpu.memory_space<vmem>>) offsets(%dma_start3A_24 : memref<128xi32, #tpu.memory_space<vmem>>) semaphore(%arg13 : memref<!tpu.dma_semaphore, #tpu.memory_space<semaphore_mem>>)
    %dma_start3A_28 = arith.constant 128 : i32
    %dma_start3A_29 = arith.constant 0 : i32
    %dma_start3A_30 = tpu.memref_slice %arg11[%dma_start3A_28, %dma_start3A_29] : memref<200x128xf32, #tpu.memory_space<vmem>> -> memref<72x128xf32, #tpu.memory_space<vmem>>
    %dma_start3A_31 = arith.constant 128 : i32
    %dma_start3A_32 = tpu.memref_slice %arg10[%dma_start3A_31] : memref<10000xi32, #tpu.memory_space<vmem>> -> memref<72xi32, #tpu.memory_space<vmem>>
    %dma_start3A_33 = arith.constant 0 : i32
    %dma_start3A_34 = arith.constant 0 : i32
    %dma_start3A_35 = tpu.memref_slice %arg17[%dma_start3A_33, %dma_start3A_34] : memref<776x128xf32, #tpu.memory_space<vmem_shared>> -> memref<776x128xf32, #tpu.memory_space<vmem_shared>>
    tpu.enqueue_indirect_dma source(%dma_start3A_35 : memref<776x128xf32, #tpu.memory_space<vmem_shared>>) target(%dma_start3A_30 : memref<72x128xf32, #tpu.memory_space<vmem>>) offsets(%dma_start3A_32 : memref<72xi32, #tpu.memory_space<vmem>>) semaphore(%arg13 : memref<!tpu.dma_semaphore, #tpu.memory_space<semaphore_mem>>)
    %dma_start3A_36 = arith.constant 0 : i32
    %dma_start3A_37 = arith.constant 0 : i32
    %dma_start3A_38 = tpu.memref_slice %arg12[%dma_start3A_36, %dma_start3A_37] : memref<200x128xf32, #tpu.memory_space<vmem>> -> memref<128x128xf32, #tpu.memory_space<vmem>>
    %dma_start3A_39 = arith.constant 200 : i32
    %dma_start3A_40 = tpu.memref_slice %arg10[%dma_start3A_39] : memref<10000xi32, #tpu.memory_space<vmem>> -> memref<128xi32, #tpu.memory_space<vmem>>
    %dma_start3A_41 = arith.constant 0 : i32
    %dma_start3A_42 = arith.constant 0 : i32
    %dma_start3A_43 = tpu.memref_slice %arg17[%dma_start3A_41, %dma_start3A_42] : memref<776x128xf32, #tpu.memory_space<vmem_shared>> -> memref<776x128xf32, #tpu.memory_space<vmem_shared>>
    tpu.enqueue_indirect_dma source(%dma_start3A_43 : memref<776x128xf32, #tpu.memory_space<vmem_shared>>) target(%dma_start3A_38 : memref<128x128xf32, #tpu.memory_space<vmem>>) offsets(%dma_start3A_40 : memref<128xi32, #tpu.memory_space<vmem>>) semaphore(%arg14 : memref<!tpu.dma_semaphore, #tpu.memory_space<semaphore_mem>>)
    %dma_start3A_44 = arith.constant 128 : i32
    %dma_start3A_45 = arith.constant 0 : i32
    %dma_start3A_46 = tpu.memref_slice %arg12[%dma_start3A_44, %dma_start3A_45] : memref<200x128xf32, #tpu.memory_space<vmem>> -> memref<72x128xf32, #tpu.memory_space<vmem>>
    %dma_start3A_47 = arith.constant 328 : i32
    %dma_start3A_48 = tpu.memref_slice %arg10[%dma_start3A_47] : memref<10000xi32, #tpu.memory_space<vmem>> -> memref<72xi32, #tpu.memory_space<vmem>>
    %dma_start3A_49 = arith.constant 0 : i32
    %dma_start3A_50 = arith.constant 0 : i32
    %dma_start3A_51 = tpu.memref_slice %arg17[%dma_start3A_49, %dma_start3A_50] : memref<776x128xf32, #tpu.memory_space<vmem_shared>> -> memref<776x128xf32, #tpu.memory_space<vmem_shared>>
    tpu.enqueue_indirect_dma source(%dma_start3A_51 : memref<776x128xf32, #tpu.memory_space<vmem_shared>>) target(%dma_start3A_46 : memref<72x128xf32, #tpu.memory_space<vmem>>) offsets(%dma_start3A_48 : memref<72xi32, #tpu.memory_space<vmem>>) semaphore(%arg14 : memref<!tpu.dma_semaphore, #tpu.memory_space<semaphore_mem>>)
    %scan3A_52 = arith.constant 0 : i32
    %scan3A_53 = arith.constant 25 : i32
    %scan3A_54 = arith.constant 600 : i32
    %scan3A_55 = arith.addi %scan3A_53, %scan3A_54 : i32
    %scan3A_56 = arith.constant 1 : i32
    scf.for %scan3A_116 = %scan3A_53 to %scan3A_55 step %scan3A_56  : i32 {
      %mul3A_117 = arith.constant 16 : i32
      %mul3A_118 = arith.muli %scan3A_116, %mul3A_117 : i32
      %get3A = arith.index_cast %mul3A_118 : i32 to index
      %get3A_119 = tpu.vector_load %arg7[%get3A] {strides = array<i32>} : memref<10000xi32, #tpu.memory_space<vmem>>, vector<16xi32>,
      %get3A_120 = vector.shape_cast %get3A_119 : vector<16xi32> to vector<16xi32>
      %mul3A_121 = arith.constant 77 : i32
      %mul3A_122 = vector.broadcast %mul3A_121 : i32 to vector<16xi32>
      %mul3A_123 = arith.muli %get3A_120, %mul3A_122 : vector<16xi32>
      %get3A_124 = arith.index_cast %mul3A_118 : i32 to index
      %get3A_125 = tpu.vector_load %arg8[%get3A_124] {strides = array<i32>} : memref<10000xi32, #tpu.memory_space<vmem>>, vector<16xi32>,
      %get3A_126 = vector.shape_cast %get3A_125 : vector<16xi32> to vector<16xi32>
      %mul3A_127 = arith.constant 7 : i32
      %mul3A_128 = vector.broadcast %mul3A_127 : i32 to vector<16xi32>
      %mul3A_129 = arith.muli %get3A_126, %mul3A_128 : vector<16xi32>
      %add3A_130 = arith.addi %mul3A_123, %mul3A_129 : vector<16xi32>
      %get3A_131 = arith.index_cast %mul3A_118 : i32 to index
      %get3A_132 = tpu.vector_load %arg9[%get3A_131] {strides = array<i32>} : memref<10000xi32, #tpu.memory_space<vmem>>, vector<16xi32>,
      %get3A_133 = vector.shape_cast %get3A_132 : vector<16xi32> to vector<16xi32>
      %add3A_134 = arith.addi %add3A_130, %get3A_133 : vector<16xi32>
      %swap3A = arith.index_cast %mul3A_118 : i32 to index
      %swap3A_135 = tpu.vector_load %arg10[%swap3A] {strides = array<i32>} : memref<10000xi32, #tpu.memory_space<vmem>>, vector<16xi32>,
      %swap3A_136 = vector.shape_cast %swap3A_135 : vector<16xi32> to vector<16xi32>
      %swap3A_137 = vector.shape_cast %add3A_134 : vector<16xi32> to vector<16xi32>
      tpu.vector_store %arg10[%swap3A], %swap3A_137 {strides = array<i32>} : memref<10000xi32, #tpu.memory_space<vmem>>, vector<16xi32>,
    }
    %scan3A_57 = arith.constant 600 : i32
    %dma_wait3A_58 = arith.constant 0 : i32
    %dma_wait3A_59 = arith.constant 0 : i32
    %dma_wait3A_60 = tpu.memref_slice %arg11[%dma_wait3A_58, %dma_wait3A_59] : memref<200x128xf32, #tpu.memory_space<vmem>> -> memref<128x128xf32, #tpu.memory_space<vmem>>
    %dma_wait3A_61 = arith.constant 0 : i32
    %dma_wait3A_62 = tpu.memref_slice %arg10[%dma_wait3A_61] : memref<10000xi32, #tpu.memory_space<vmem>> -> memref<128xi32, #tpu.memory_space<vmem>>
    %dma_wait3A_63 = arith.constant 0 : i32
    %dma_wait3A_64 = arith.constant 0 : i32
    %dma_wait3A_65 = tpu.memref_slice %arg17[%dma_wait3A_63, %dma_wait3A_64] : memref<776x128xf32, #tpu.memory_space<vmem_shared>> -> memref<776x128xf32, #tpu.memory_space<vmem_shared>>
    tpu.wait_indirect_dma semaphore(%arg13 : memref<!tpu.dma_semaphore, #tpu.memory_space<semaphore_mem>>) src(%dma_wait3A_65 : memref<776x128xf32, #tpu.memory_space<vmem_shared>>) dst(%dma_wait3A_60 : memref<128x128xf32, #tpu.memory_space<vmem>>)
    %dma_wait3A_66 = arith.constant 128 : i32
    %dma_wait3A_67 = arith.constant 0 : i32
    %dma_wait3A_68 = tpu.memref_slice %arg11[%dma_wait3A_66, %dma_wait3A_67] : memref<200x128xf32, #tpu.memory_space<vmem>> -> memref<72x128xf32, #tpu.memory_space<vmem>>
    %dma_wait3A_69 = arith.constant 128 : i32
    %dma_wait3A_70 = tpu.memref_slice %arg10[%dma_wait3A_69] : memref<10000xi32, #tpu.memory_space<vmem>> -> memref<72xi32, #tpu.memory_space<vmem>>
    %dma_wait3A_71 = arith.constant 0 : i32
    %dma_wait3A_72 = arith.constant 0 : i32
    %dma_wait3A_73 = tpu.memref_slice %arg17[%dma_wait3A_71, %dma_wait3A_72] : memref<776x128xf32, #tpu.memory_space<vmem_shared>> -> memref<776x128xf32, #tpu.memory_space<vmem_shared>>
    tpu.wait_indirect_dma semaphore(%arg13 : memref<!tpu.dma_semaphore, #tpu.memory_space<semaphore_mem>>) src(%dma_wait3A_73 : memref<776x128xf32, #tpu.memory_space<vmem_shared>>) dst(%dma_wait3A_68 : memref<72x128xf32, #tpu.memory_space<vmem>>)
    %add3A_74 = arith.constant 0 : i32
    %add3A_75 = arith.addi %mul3A_2, %add3A_74 : i32
    %dma_start3A_76 = arith.constant 0 : i32
    %dma_start3A_77 = tpu.memref_slice %arg6[%add3A_75, %dma_start3A_76] : memref<320000x128xf32, #tpu.memory_space<hbm>> -> memref<200x128xf32, #tpu.memory_space<hbm>>
    %dma_start3A_78 = arith.constant 0 : i32
    %dma_start3A_79 = tpu.memref_slice %arg6[%add3A_75, %dma_start3A_78] : memref<320000x128xf32, #tpu.memory_space<hbm>> -> memref<200x128xf32, #tpu.memory_space<hbm>>
    tpu.enqueue_dma source(%arg11 : memref<200x128xf32, #tpu.memory_space<vmem>>) target(%dma_start3A_79 : memref<200x128xf32, #tpu.memory_space<hbm>>) target_semaphore(%arg15 : memref<!tpu.dma_semaphore, #tpu.memory_space<semaphore_mem>>)
    %dma_wait3A_80 = arith.constant 0 : i32
    %dma_wait3A_81 = arith.constant 0 : i32
    %dma_wait3A_82 = tpu.memref_slice %arg12[%dma_wait3A_80, %dma_wait3A_81] : memref<200x128xf32, #tpu.memory_space<vmem>> -> memref<128x128xf32, #tpu.memory_space<vmem>>
    %dma_wait3A_83 = arith.constant 200 : i32
    %dma_wait3A_84 = tpu.memref_slice %arg10[%dma_wait3A_83] : memref<10000xi32, #tpu.memory_space<vmem>> -> memref<128xi32, #tpu.memory_space<vmem>>
    %dma_wait3A_85 = arith.constant 0 : i32
    %dma_wait3A_86 = arith.constant 0 : i32
    %dma_wait3A_87 = tpu.memref_slice %arg17[%dma_wait3A_85, %dma_wait3A_86] : memref<776x128xf32, #tpu.memory_space<vmem_shared>> -> memref<776x128xf32, #tpu.memory_space<vmem_shared>>
    tpu.wait_indirect_dma semaphore(%arg14 : memref<!tpu.dma_semaphore, #tpu.memory_space<semaphore_mem>>) src(%dma_wait3A_87 : memref<776x128xf32, #tpu.memory_space<vmem_shared>>) dst(%dma_wait3A_82 : memref<128x128xf32, #tpu.memory_space<vmem>>)
    %dma_wait3A_88 = arith.constant 128 : i32
    %dma_wait3A_89 = arith.constant 0 : i32
    %dma_wait3A_90 = tpu.memref_slice %arg12[%dma_wait3A_88, %dma_wait3A_89] : memref<200x128xf32, #tpu.memory_space<vmem>> -> memref<72x128xf32, #tpu.memory_space<vmem>>
    %dma_wait3A_91 = arith.constant 328 : i32
    %dma_wait3A_92 = tpu.memref_slice %arg10[%dma_wait3A_91] : memref<10000xi32, #tpu.memory_space<vmem>> -> memref<72xi32, #tpu.memory_space<vmem>>
    %dma_wait3A_93 = arith.constant 0 : i32
    %dma_wait3A_94 = arith.constant 0 : i32
    %dma_wait3A_95 = tpu.memref_slice %arg17[%dma_wait3A_93, %dma_wait3A_94] : memref<776x128xf32, #tpu.memory_space<vmem_shared>> -> memref<776x128xf32, #tpu.memory_space<vmem_shared>>
    tpu.wait_indirect_dma semaphore(%arg14 : memref<!tpu.dma_semaphore, #tpu.memory_space<semaphore_mem>>) src(%dma_wait3A_95 : memref<776x128xf32, #tpu.memory_space<vmem_shared>>) dst(%dma_wait3A_90 : memref<72x128xf32, #tpu.memory_space<vmem>>)
    %add3A_96 = arith.constant 200 : i32
    %add3A_97 = arith.addi %mul3A_2, %add3A_96 : i32
    %dma_start3A_98 = arith.constant 0 : i32
    %dma_start3A_99 = tpu.memref_slice %arg6[%add3A_97, %dma_start3A_98] : memref<320000x128xf32, #tpu.memory_space<hbm>> -> memref<200x128xf32, #tpu.memory_space<hbm>>
    %dma_start3A_100 = arith.constant 0 : i32
    %dma_start3A_101 = tpu.memref_slice %arg6[%add3A_97, %dma_start3A_100] : memref<320000x128xf32, #tpu.memory_space<hbm>> -> memref<200x128xf32, #tpu.memory_space<hbm>>
    tpu.enqueue_dma source(%arg12 : memref<200x128xf32, #tpu.memory_space<vmem>>) target(%dma_start3A_101 : memref<200x128xf32, #tpu.memory_space<hbm>>) target_semaphore(%arg16 : memref<!tpu.dma_semaphore, #tpu.memory_space<semaphore_mem>>)
    %scan3A_102 = arith.constant 0 : i32
    %scan3A_103 = arith.constant 1 : i32
    %scan3A_104 = arith.constant 24 : i32
    %scan3A_105 = arith.addi %scan3A_103, %scan3A_104 : i32
    %scan3A_106 = arith.constant 1 : i32
    scf.for %scan3A_116 = %scan3A_103 to %scan3A_105 step %scan3A_106  : i32 {
      %mul3A_117 = arith.constant 2 : i32
      %mul3A_118 = arith.muli %mul3A_117, %scan3A_116 : i32
      %dma_wait3A_119 = arith.constant 0 : i32
      %dma_wait3A_120 = tpu.memref_slice %arg6[%mul3A_2, %dma_wait3A_119] : memref<320000x128xf32, #tpu.memory_space<hbm>> -> memref<200x128xf32, #tpu.memory_space<hbm>>
      %dma_wait3A_121 = arith.constant 0 : i32
      %dma_wait3A_122 = tpu.memref_slice %arg6[%mul3A_2, %dma_wait3A_121] : memref<320000x128xf32, #tpu.memory_space<hbm>> -> memref<200x128xf32, #tpu.memory_space<hbm>>
      tpu.wait_dma2 semaphore(%arg15 : memref<!tpu.dma_semaphore, #tpu.memory_space<semaphore_mem>>) src(%arg11 : memref<200x128xf32, #tpu.memory_space<vmem>>) dst(%dma_wait3A_122 : memref<200x128xf32, #tpu.memory_space<hbm>>)
      %mul3A_123 = arith.constant 200 : i32
      %mul3A_124 = arith.muli %mul3A_118, %mul3A_123 : i32
      %add3A_125 = arith.constant 0 : i32
      %add3A_126 = arith.addi %mul3A_124, %add3A_125 : i32
      %dma_start3A_127 = arith.constant 0 : i32
      %dma_start3A_128 = arith.constant 0 : i32
      %dma_start3A_129 = tpu.memref_slice %arg11[%dma_start3A_127, %dma_start3A_128] : memref<200x128xf32, #tpu.memory_space<vmem>> -> memref<128x128xf32, #tpu.memory_space<vmem>>
      %dma_start3A_130 = tpu.memref_slice %arg10[%add3A_126] : memref<10000xi32, #tpu.memory_space<vmem>> -> memref<128xi32, #tpu.memory_space<vmem>>
      %dma_start3A_131 = arith.constant 0 : i32
      %dma_start3A_132 = arith.constant 0 : i32
      %dma_start3A_133 = tpu.memref_slice %arg17[%dma_start3A_131, %dma_start3A_132] : memref<776x128xf32, #tpu.memory_space<vmem_shared>> -> memref<776x128xf32, #tpu.memory_space<vmem_shared>>
      tpu.enqueue_indirect_dma source(%dma_start3A_133 : memref<776x128xf32, #tpu.memory_space<vmem_shared>>) target(%dma_start3A_129 : memref<128x128xf32, #tpu.memory_space<vmem>>) offsets(%dma_start3A_130 : memref<128xi32, #tpu.memory_space<vmem>>) semaphore(%arg13 : memref<!tpu.dma_semaphore, #tpu.memory_space<semaphore_mem>>)
      %add3A_134 = arith.constant 128 : i32
      %add3A_135 = arith.addi %mul3A_124, %add3A_134 : i32
      %dma_start3A_136 = arith.constant 128 : i32
      %dma_start3A_137 = arith.constant 0 : i32
      %dma_start3A_138 = tpu.memref_slice %arg11[%dma_start3A_136, %dma_start3A_137] : memref<200x128xf32, #tpu.memory_space<vmem>> -> memref<72x128xf32, #tpu.memory_space<vmem>>
      %dma_start3A_139 = tpu.memref_slice %arg10[%add3A_135] : memref<10000xi32, #tpu.memory_space<vmem>> -> memref<72xi32, #tpu.memory_space<vmem>>
      %dma_start3A_140 = arith.constant 0 : i32
      %dma_start3A_141 = arith.constant 0 : i32
      %dma_start3A_142 = tpu.memref_slice %arg17[%dma_start3A_140, %dma_start3A_141] : memref<776x128xf32, #tpu.memory_space<vmem_shared>> -> memref<776x128xf32, #tpu.memory_space<vmem_shared>>
      tpu.enqueue_indirect_dma source(%dma_start3A_142 : memref<776x128xf32, #tpu.memory_space<vmem_shared>>) target(%dma_start3A_138 : memref<72x128xf32, #tpu.memory_space<vmem>>) offsets(%dma_start3A_139 : memref<72xi32, #tpu.memory_space<vmem>>) semaphore(%arg13 : memref<!tpu.dma_semaphore, #tpu.memory_space<semaphore_mem>>)
      %dma_wait3A_143 = arith.constant 0 : i32
      %dma_wait3A_144 = tpu.memref_slice %arg6[%mul3A_2, %dma_wait3A_143] : memref<320000x128xf32, #tpu.memory_space<hbm>> -> memref<200x128xf32, #tpu.memory_space<hbm>>
      %dma_wait3A_145 = arith.constant 0 : i32
      %dma_wait3A_146 = tpu.memref_slice %arg6[%mul3A_2, %dma_wait3A_145] : memref<320000x128xf32, #tpu.memory_space<hbm>> -> memref<200x128xf32, #tpu.memory_space<hbm>>
      tpu.wait_dma2 semaphore(%arg16 : memref<!tpu.dma_semaphore, #tpu.memory_space<semaphore_mem>>) src(%arg12 : memref<200x128xf32, #tpu.memory_space<vmem>>) dst(%dma_wait3A_146 : memref<200x128xf32, #tpu.memory_space<hbm>>)
      %add3A_147 = arith.constant 1 : i32
      %add3A_148 = arith.addi %mul3A_118, %add3A_147 : i32
      %mul3A_149 = arith.constant 200 : i32
      %mul3A_150 = arith.muli %add3A_148, %mul3A_149 : i32
      %add3A_151 = arith.constant 0 : i32
      %add3A_152 = arith.addi %mul3A_150, %add3A_151 : i32
      %dma_start3A_153 = arith.constant 0 : i32
      %dma_start3A_154 = arith.constant 0 : i32
      %dma_start3A_155 = tpu.memref_slice %arg12[%dma_start3A_153, %dma_start3A_154] : memref<200x128xf32, #tpu.memory_space<vmem>> -> memref<128x128xf32, #tpu.memory_space<vmem>>
      %dma_start3A_156 = tpu.memref_slice %arg10[%add3A_152] : memref<10000xi32, #tpu.memory_space<vmem>> -> memref<128xi32, #tpu.memory_space<vmem>>
      %dma_start3A_157 = arith.constant 0 : i32
      %dma_start3A_158 = arith.constant 0 : i32
      %dma_start3A_159 = tpu.memref_slice %arg17[%dma_start3A_157, %dma_start3A_158] : memref<776x128xf32, #tpu.memory_space<vmem_shared>> -> memref<776x128xf32, #tpu.memory_space<vmem_shared>>
      tpu.enqueue_indirect_dma source(%dma_start3A_159 : memref<776x128xf32, #tpu.memory_space<vmem_shared>>) target(%dma_start3A_155 : memref<128x128xf32, #tpu.memory_space<vmem>>) offsets(%dma_start3A_156 : memref<128xi32, #tpu.memory_space<vmem>>) semaphore(%arg14 : memref<!tpu.dma_semaphore, #tpu.memory_space<semaphore_mem>>)
      %add3A_160 = arith.constant 128 : i32
      %add3A_161 = arith.addi %mul3A_150, %add3A_160 : i32
      %dma_start3A_162 = arith.constant 128 : i32
      %dma_start3A_163 = arith.constant 0 : i32
      %dma_start3A_164 = tpu.memref_slice %arg12[%dma_start3A_162, %dma_start3A_163] : memref<200x128xf32, #tpu.memory_space<vmem>> -> memref<72x128xf32, #tpu.memory_space<vmem>>
      %dma_start3A_165 = tpu.memref_slice %arg10[%add3A_161] : memref<10000xi32, #tpu.memory_space<vmem>> -> memref<72xi32, #tpu.memory_space<vmem>>
      %dma_start3A_166 = arith.constant 0 : i32
      %dma_start3A_167 = arith.constant 0 : i32
      %dma_start3A_168 = tpu.memref_slice %arg17[%dma_start3A_166, %dma_start3A_167] : memref<776x128xf32, #tpu.memory_space<vmem_shared>> -> memref<776x128xf32, #tpu.memory_space<vmem_shared>>
      tpu.enqueue_indirect_dma source(%dma_start3A_168 : memref<776x128xf32, #tpu.memory_space<vmem_shared>>) target(%dma_start3A_164 : memref<72x128xf32, #tpu.memory_space<vmem>>) offsets(%dma_start3A_165 : memref<72xi32, #tpu.memory_space<vmem>>) semaphore(%arg14 : memref<!tpu.dma_semaphore, #tpu.memory_space<semaphore_mem>>)
      %dma_wait3A_169 = arith.constant 0 : i32
      %dma_wait3A_170 = arith.constant 0 : i32
      %dma_wait3A_171 = tpu.memref_slice %arg11[%dma_wait3A_169, %dma_wait3A_170] : memref<200x128xf32, #tpu.memory_space<vmem>> -> memref<128x128xf32, #tpu.memory_space<vmem>>
      %dma_wait3A_172 = tpu.memref_slice %arg10[%add3A_126] : memref<10000xi32, #tpu.memory_space<vmem>> -> memref<128xi32, #tpu.memory_space<vmem>>
      %dma_wait3A_173 = arith.constant 0 : i32
      %dma_wait3A_174 = arith.constant 0 : i32
      %dma_wait3A_175 = tpu.memref_slice %arg17[%dma_wait3A_173, %dma_wait3A_174] : memref<776x128xf32, #tpu.memory_space<vmem_shared>> -> memref<776x128xf32, #tpu.memory_space<vmem_shared>>
      tpu.wait_indirect_dma semaphore(%arg13 : memref<!tpu.dma_semaphore, #tpu.memory_space<semaphore_mem>>) src(%dma_wait3A_175 : memref<776x128xf32, #tpu.memory_space<vmem_shared>>) dst(%dma_wait3A_171 : memref<128x128xf32, #tpu.memory_space<vmem>>)
      %dma_wait3A_176 = arith.constant 128 : i32
      %dma_wait3A_177 = arith.constant 0 : i32
      %dma_wait3A_178 = tpu.memref_slice %arg11[%dma_wait3A_176, %dma_wait3A_177] : memref<200x128xf32, #tpu.memory_space<vmem>> -> memref<72x128xf32, #tpu.memory_space<vmem>>
      %dma_wait3A_179 = tpu.memref_slice %arg10[%add3A_135] : memref<10000xi32, #tpu.memory_space<vmem>> -> memref<72xi32, #tpu.memory_space<vmem>>
      %dma_wait3A_180 = arith.constant 0 : i32
      %dma_wait3A_181 = arith.constant 0 : i32
      %dma_wait3A_182 = tpu.memref_slice %arg17[%dma_wait3A_180, %dma_wait3A_181] : memref<776x128xf32, #tpu.memory_space<vmem_shared>> -> memref<776x128xf32, #tpu.memory_space<vmem_shared>>
      tpu.wait_indirect_dma semaphore(%arg13 : memref<!tpu.dma_semaphore, #tpu.memory_space<semaphore_mem>>) src(%dma_wait3A_182 : memref<776x128xf32, #tpu.memory_space<vmem_shared>>) dst(%dma_wait3A_178 : memref<72x128xf32, #tpu.memory_space<vmem>>)
      %mul3A_183 = arith.constant 200 : i32
      %mul3A_184 = arith.muli %mul3A_118, %mul3A_183 : i32
      %add3A_185 = arith.addi %mul3A_2, %mul3A_184 : i32
      %dma_start3A_186 = arith.constant 0 : i32
      %dma_start3A_187 = tpu.memref_slice %arg6[%add3A_185, %dma_start3A_186] : memref<320000x128xf32, #tpu.memory_space<hbm>> -> memref<200x128xf32, #tpu.memory_space<hbm>>
      %dma_start3A_188 = arith.constant 0 : i32
      %dma_start3A_189 = tpu.memref_slice %arg6[%add3A_185, %dma_start3A_188] : memref<320000x128xf32, #tpu.memory_space<hbm>> -> memref<200x128xf32, #tpu.memory_space<hbm>>
      tpu.enqueue_dma source(%arg11 : memref<200x128xf32, #tpu.memory_space<vmem>>) target(%dma_start3A_189 : memref<200x128xf32, #tpu.memory_space<hbm>>) target_semaphore(%arg15 : memref<!tpu.dma_semaphore, #tpu.memory_space<semaphore_mem>>)
      %dma_wait3A_190 = arith.constant 0 : i32
      %dma_wait3A_191 = arith.constant 0 : i32
      %dma_wait3A_192 = tpu.memref_slice %arg12[%dma_wait3A_190, %dma_wait3A_191] : memref<200x128xf32, #tpu.memory_space<vmem>> -> memref<128x128xf32, #tpu.memory_space<vmem>>
      %dma_wait3A_193 = tpu.memref_slice %arg10[%add3A_152] : memref<10000xi32, #tpu.memory_space<vmem>> -> memref<128xi32, #tpu.memory_space<vmem>>
      %dma_wait3A_194 = arith.constant 0 : i32
      %dma_wait3A_195 = arith.constant 0 : i32
      %dma_wait3A_196 = tpu.memref_slice %arg17[%dma_wait3A_194, %dma_wait3A_195] : memref<776x128xf32, #tpu.memory_space<vmem_shared>> -> memref<776x128xf32, #tpu.memory_space<vmem_shared>>
      tpu.wait_indirect_dma semaphore(%arg14 : memref<!tpu.dma_semaphore, #tpu.memory_space<semaphore_mem>>) src(%dma_wait3A_196 : memref<776x128xf32, #tpu.memory_space<vmem_shared>>) dst(%dma_wait3A_192 : memref<128x128xf32, #tpu.memory_space<vmem>>)
      %dma_wait3A_197 = arith.constant 128 : i32
      %dma_wait3A_198 = arith.constant 0 : i32
      %dma_wait3A_199 = tpu.memref_slice %arg12[%dma_wait3A_197, %dma_wait3A_198] : memref<200x128xf32, #tpu.memory_space<vmem>> -> memref<72x128xf32, #tpu.memory_space<vmem>>
      %dma_wait3A_200 = tpu.memref_slice %arg10[%add3A_161] : memref<10000xi32, #tpu.memory_space<vmem>> -> memref<72xi32, #tpu.memory_space<vmem>>
      %dma_wait3A_201 = arith.constant 0 : i32
      %dma_wait3A_202 = arith.constant 0 : i32
      %dma_wait3A_203 = tpu.memref_slice %arg17[%dma_wait3A_201, %dma_wait3A_202] : memref<776x128xf32, #tpu.memory_space<vmem_shared>> -> memref<776x128xf32, #tpu.memory_space<vmem_shared>>
      tpu.wait_indirect_dma semaphore(%arg14 : memref<!tpu.dma_semaphore, #tpu.memory_space<semaphore_mem>>) src(%dma_wait3A_203 : memref<776x128xf32, #tpu.memory_space<vmem_shared>>) dst(%dma_wait3A_199 : memref<72x128xf32, #tpu.memory_space<vmem>>)
      %add3A_204 = arith.constant 1 : i32
      %add3A_205 = arith.addi %mul3A_118, %add3A_204 : i32
      %mul3A_206 = arith.constant 200 : i32
      %mul3A_207 = arith.muli %add3A_205, %mul3A_206 : i32
      %add3A_208 = arith.addi %mul3A_2, %mul3A_207 : i32
      %dma_start3A_209 = arith.constant 0 : i32
      %dma_start3A_210 = tpu.memref_slice %arg6[%add3A_208, %dma_start3A_209] : memref<320000x128xf32, #tpu.memory_space<hbm>> -> memref<200x128xf32, #tpu.memory_space<hbm>>
      %dma_start3A_211 = arith.constant 0 : i32
      %dma_start3A_212 = tpu.memref_slice %arg6[%add3A_208, %dma_start3A_211] : memref<320000x128xf32, #tpu.memory_space<hbm>> -> memref<200x128xf32, #tpu.memory_space<hbm>>
      tpu.enqueue_dma source(%arg12 : memref<200x128xf32, #tpu.memory_space<vmem>>) target(%dma_start3A_212 : memref<200x128xf32, #tpu.memory_space<hbm>>) target_semaphore(%arg16 : memref<!tpu.dma_semaphore, #tpu.memory_space<semaphore_mem>>)
    }
    %scan3A_107 = arith.constant 24 : i32
    %dma_wait3A_108 = arith.constant 0 : i32
    %dma_wait3A_109 = tpu.memref_slice %arg6[%mul3A_2, %dma_wait3A_108] : memref<320000x128xf32, #tpu.memory_space<hbm>> -> memref<200x128xf32, #tpu.memory_space<hbm>>
    %dma_wait3A_110 = arith.constant 0 : i32
    %dma_wait3A_111 = tpu.memref_slice %arg6[%mul3A_2, %dma_wait3A_110] : memref<320000x128xf32, #tpu.memory_space<hbm>> -> memref<200x128xf32, #tpu.memory_space<hbm>>
    tpu.wait_dma2 semaphore(%arg15 : memref<!tpu.dma_semaphore, #tpu.memory_space<semaphore_mem>>) src(%arg11 : memref<200x128xf32, #tpu.memory_space<vmem>>) dst(%dma_wait3A_111 : memref<200x128xf32, #tpu.memory_space<hbm>>)
    %dma_wait3A_112 = arith.constant 0 : i32
    %dma_wait3A_113 = tpu.memref_slice %arg6[%mul3A_2, %dma_wait3A_112] : memref<320000x128xf32, #tpu.memory_space<hbm>> -> memref<200x128xf32, #tpu.memory_space<hbm>>
    %dma_wait3A_114 = arith.constant 0 : i32
    %dma_wait3A_115 = tpu.memref_slice %arg6[%mul3A_2, %dma_wait3A_114] : memref<320000x128xf32, #tpu.memory_space<hbm>> -> memref<200x128xf32, #tpu.memory_space<hbm>>
    tpu.wait_dma2 semaphore(%arg16 : memref<!tpu.dma_semaphore, #tpu.memory_space<semaphore_mem>>) src(%arg12 : memref<200x128xf32, #tpu.memory_space<vmem>>) dst(%dma_wait3A_115 : memref<200x128xf32, #tpu.memory_space<hbm>>)
    return
  }
}

module attributes {stable_mosaic.version = 14 : i64} {
  func.func @body(%arg0: memref<10x128xf32, #tpu.memory_space<vmem>>, %arg1: memref<11x128xf32, #tpu.memory_space<vmem>>, %arg2: memref<7x128xf32, #tpu.memory_space<vmem>>, %arg3: memref<776x128xf32, #tpu.memory_space<vmem>>) attributes {dimension_semantics = [], scalar_prefetch = 0 : i64, scratch_operands = 0 : i64, tpu.core_type = #tpu.core_type<tc>} {
    %iota3A = tpu.iota {dimensions = array<i32: 0>} : vector<776x10xi32>
    %iota3A_0 = tpu.iota {dimensions = array<i32: 1>} : vector<776x10xi32>
    %jit3A = arith.constant 77 : i32
    %div3A = vector.broadcast %jit3A : i32 to vector<776x10xi32>
    %div3A_1 = arith.divsi %iota3A, %div3A : vector<776x10xi32>
    %sign3A = arith.constant 0 : i32
    %sign3A_2 = vector.broadcast %sign3A : i32 to vector<776x10xi32>
    %sign3A_3 = arith.cmpi sgt, %iota3A, %sign3A_2 : vector<776x10xi32>
    %sign3A_4 = arith.extui %sign3A_3 : vector<776x10xi1> to vector<776x10xi32>
    %sign3A_5 = arith.constant 0 : i32
    %sign3A_6 = vector.broadcast %sign3A_5 : i32 to vector<776x10xi32>
    %sign3A_7 = arith.cmpi slt, %iota3A, %sign3A_6 : vector<776x10xi32>
    %sign3A_8 = arith.extui %sign3A_7 : vector<776x10xi1> to vector<776x10xi32>
    %sign3A_9 = arith.subi %sign3A_4, %sign3A_8 : vector<776x10xi32>
    %sign3A_10 = arith.constant 0 : i32
    %sign3A_11 = arith.cmpi sgt, %jit3A, %sign3A_10 : i32
    %sign3A_12 = arith.extui %sign3A_11 : i1 to i32
    %sign3A_13 = arith.constant 0 : i32
    %sign3A_14 = arith.cmpi slt, %jit3A, %sign3A_13 : i32
    %sign3A_15 = arith.extui %sign3A_14 : i1 to i32
    %sign3A_16 = arith.subi %sign3A_12, %sign3A_15 : i32
    %ne3A = vector.broadcast %sign3A_16 : i32 to vector<776x10xi32>
    %ne3A_17 = arith.cmpi ne, %sign3A_9, %ne3A : vector<776x10xi32>
    %rem3A = vector.broadcast %jit3A : i32 to vector<776x10xi32>
    %rem3A_18 = arith.remsi %iota3A, %rem3A : vector<776x10xi32>
    %ne3A_19 = arith.constant 0 : i32
    %ne3A_20 = vector.broadcast %ne3A_19 : i32 to vector<776x10xi32>
    %ne3A_21 = arith.cmpi ne, %rem3A_18, %ne3A_20 : vector<776x10xi32>
    %and3A = arith.andi %ne3A_17, %ne3A_21 : vector<776x10xi1>
    %sub3A = arith.constant 1 : i32
    %sub3A_22 = vector.broadcast %sub3A : i32 to vector<776x10xi32>
    %sub3A_23 = arith.subi %div3A_1, %sub3A_22 : vector<776x10xi32>
    %select_n3A = arith.select %and3A, %sub3A_23, %div3A_1 : vector<776x10xi1>, vector<776x10xi32>
    %eq3A = arith.cmpi eq, %select_n3A, %iota3A_0 : vector<776x10xi32>
    %convert_element_type3A = arith.extui %eq3A : vector<776x10xi1> to vector<776x10xi32>
    %convert_element_type3A_24 = arith.sitofp %convert_element_type3A : vector<776x10xi32> to vector<776x10xf32>
    %iota3A_25 = tpu.iota {dimensions = array<i32: 0>} : vector<776x11xi32>
    %iota3A_26 = tpu.iota {dimensions = array<i32: 1>} : vector<776x11xi32>
    %jit3A_27 = arith.constant 7 : i32
    %div3A_28 = vector.broadcast %jit3A_27 : i32 to vector<776x11xi32>
    %div3A_29 = arith.divsi %iota3A_25, %div3A_28 : vector<776x11xi32>
    %sign3A_30 = arith.constant 0 : i32
    %sign3A_31 = vector.broadcast %sign3A_30 : i32 to vector<776x11xi32>
    %sign3A_32 = arith.cmpi sgt, %iota3A_25, %sign3A_31 : vector<776x11xi32>
    %sign3A_33 = arith.extui %sign3A_32 : vector<776x11xi1> to vector<776x11xi32>
    %sign3A_34 = arith.constant 0 : i32
    %sign3A_35 = vector.broadcast %sign3A_34 : i32 to vector<776x11xi32>
    %sign3A_36 = arith.cmpi slt, %iota3A_25, %sign3A_35 : vector<776x11xi32>
    %sign3A_37 = arith.extui %sign3A_36 : vector<776x11xi1> to vector<776x11xi32>
    %sign3A_38 = arith.subi %sign3A_33, %sign3A_37 : vector<776x11xi32>
    %sign3A_39 = arith.constant 0 : i32
    %sign3A_40 = arith.cmpi sgt, %jit3A_27, %sign3A_39 : i32
    %sign3A_41 = arith.extui %sign3A_40 : i1 to i32
    %sign3A_42 = arith.constant 0 : i32
    %sign3A_43 = arith.cmpi slt, %jit3A_27, %sign3A_42 : i32
    %sign3A_44 = arith.extui %sign3A_43 : i1 to i32
    %sign3A_45 = arith.subi %sign3A_41, %sign3A_44 : i32
    %ne3A_46 = vector.broadcast %sign3A_45 : i32 to vector<776x11xi32>
    %ne3A_47 = arith.cmpi ne, %sign3A_38, %ne3A_46 : vector<776x11xi32>
    %rem3A_48 = vector.broadcast %jit3A_27 : i32 to vector<776x11xi32>
    %rem3A_49 = arith.remsi %iota3A_25, %rem3A_48 : vector<776x11xi32>
    %ne3A_50 = arith.constant 0 : i32
    %ne3A_51 = vector.broadcast %ne3A_50 : i32 to vector<776x11xi32>
    %ne3A_52 = arith.cmpi ne, %rem3A_49, %ne3A_51 : vector<776x11xi32>
    %and3A_53 = arith.andi %ne3A_47, %ne3A_52 : vector<776x11xi1>
    %sub3A_54 = arith.constant 1 : i32
    %sub3A_55 = vector.broadcast %sub3A_54 : i32 to vector<776x11xi32>
    %sub3A_56 = arith.subi %div3A_29, %sub3A_55 : vector<776x11xi32>
    %select_n3A_57 = arith.select %and3A_53, %sub3A_56, %div3A_29 : vector<776x11xi1>, vector<776x11xi32>
    %jit3A_58 = arith.constant 11 : i32
    %eq3A_59 = arith.constant 0 : i32
    %eq3A_60 = arith.cmpi eq, %jit3A_58, %eq3A_59 : i32
    %jit3A_61 = arith.constant 1 : i32
    %select_n3A_62 = arith.select %eq3A_60, %jit3A_61, %jit3A_58 : i32
    %rem3A_63 = vector.broadcast %select_n3A_62 : i32 to vector<776x11xi32>
    %rem3A_64 = arith.remsi %select_n3A_57, %rem3A_63 : vector<776x11xi32>
    %ne3A_65 = arith.constant 0 : i32
    %ne3A_66 = vector.broadcast %ne3A_65 : i32 to vector<776x11xi32>
    %ne3A_67 = arith.cmpi ne, %rem3A_64, %ne3A_66 : vector<776x11xi32>
    %lt3A = arith.constant 0 : i32
    %lt3A_68 = vector.broadcast %lt3A : i32 to vector<776x11xi32>
    %lt3A_69 = arith.cmpi slt, %rem3A_64, %lt3A_68 : vector<776x11xi32>
    %lt3A_70 = arith.constant 0 : i32
    %lt3A_71 = arith.cmpi slt, %select_n3A_62, %lt3A_70 : i32
    %ne3A_72 = vector.broadcast %lt3A_71 : i1 to vector<776x11xi1>
    %ne3A_73 = vector.broadcast %ne3A_72 : vector<776x11xi1> to vector<776x11xi1>
    %ne3A_74 = arith.xori %lt3A_69, %ne3A_73 : vector<776x11xi1>
    %and3A_75 = arith.andi %ne3A_74, %ne3A_67 : vector<776x11xi1>
    %add3A = vector.broadcast %select_n3A_62 : i32 to vector<776x11xi32>
    %add3A_76 = arith.addi %rem3A_64, %add3A : vector<776x11xi32>
    %select_n3A_77 = arith.select %and3A_75, %add3A_76, %rem3A_64 : vector<776x11xi1>, vector<776x11xi32>
    %eq3A_78 = arith.cmpi eq, %select_n3A_77, %iota3A_26 : vector<776x11xi32>
    %convert_element_type3A_79 = arith.extui %eq3A_78 : vector<776x11xi1> to vector<776x11xi32>
    %convert_element_type3A_80 = arith.sitofp %convert_element_type3A_79 : vector<776x11xi32> to vector<776x11xf32>
    %iota3A_81 = tpu.iota {dimensions = array<i32: 0>} : vector<776x7xi32>
    %iota3A_82 = tpu.iota {dimensions = array<i32: 1>} : vector<776x7xi32>
    %jit3A_83 = arith.constant 7 : i32
    %eq3A_84 = arith.constant 0 : i32
    %eq3A_85 = arith.cmpi eq, %jit3A_83, %eq3A_84 : i32
    %jit3A_86 = arith.constant 1 : i32
    %select_n3A_87 = arith.select %eq3A_85, %jit3A_86, %jit3A_83 : i32
    %rem3A_88 = vector.broadcast %select_n3A_87 : i32 to vector<776x7xi32>
    %rem3A_89 = arith.remsi %iota3A_81, %rem3A_88 : vector<776x7xi32>
    %ne3A_90 = arith.constant 0 : i32
    %ne3A_91 = vector.broadcast %ne3A_90 : i32 to vector<776x7xi32>
    %ne3A_92 = arith.cmpi ne, %rem3A_89, %ne3A_91 : vector<776x7xi32>
    %lt3A_93 = arith.constant 0 : i32
    %lt3A_94 = vector.broadcast %lt3A_93 : i32 to vector<776x7xi32>
    %lt3A_95 = arith.cmpi slt, %rem3A_89, %lt3A_94 : vector<776x7xi32>
    %lt3A_96 = arith.constant 0 : i32
    %lt3A_97 = arith.cmpi slt, %select_n3A_87, %lt3A_96 : i32
    %ne3A_98 = vector.broadcast %lt3A_97 : i1 to vector<776x7xi1>
    %ne3A_99 = vector.broadcast %ne3A_98 : vector<776x7xi1> to vector<776x7xi1>
    %ne3A_100 = arith.xori %lt3A_95, %ne3A_99 : vector<776x7xi1>
    %and3A_101 = arith.andi %ne3A_100, %ne3A_92 : vector<776x7xi1>
    %add3A_102 = vector.broadcast %select_n3A_87 : i32 to vector<776x7xi32>
    %add3A_103 = arith.addi %rem3A_89, %add3A_102 : vector<776x7xi32>
    %select_n3A_104 = arith.select %and3A_101, %add3A_103, %rem3A_89 : vector<776x7xi1>, vector<776x7xi32>
    %eq3A_105 = arith.cmpi eq, %select_n3A_104, %iota3A_82 : vector<776x7xi32>
    %convert_element_type3A_106 = arith.extui %eq3A_105 : vector<776x7xi1> to vector<776x7xi32>
    %convert_element_type3A_107 = arith.sitofp %convert_element_type3A_106 : vector<776x7xi32> to vector<776x7xf32>
    %get3A = arith.constant 0 : index
    %get3A_108 = arith.constant 0 : index
    %get3A_109 = vector.load %arg0[%get3A, %get3A_108] : memref<10x128xf32, #tpu.memory_space<vmem>>, vector<10x128xf32>
    %dot_general3A = arith.constant dense<0.000000e+00> : vector<776x128xf32>
    %dot_general3A_110 = tpu.matmul %convert_element_type3A_24, %get3A_109, %dot_general3A {dimension_numbers = #tpu.dot_dimension_numbers<[1], [0], [0], [1], [0, 0, 1, 1], [], []>, precision = #tpu.contract_precision<fp32>, transpose_lhs_hint = false} : vector<776x10xf32>, vector<10x128xf32>, vector<776x128xf32> -> vector<776x128xf32>
    %get3A_111 = arith.constant 0 : index
    %get3A_112 = arith.constant 0 : index
    %get3A_113 = vector.load %arg1[%get3A_111, %get3A_112] : memref<11x128xf32, #tpu.memory_space<vmem>>, vector<11x128xf32>
    %dot_general3A_114 = arith.constant dense<0.000000e+00> : vector<776x128xf32>
    %dot_general3A_115 = tpu.matmul %convert_element_type3A_80, %get3A_113, %dot_general3A_114 {dimension_numbers = #tpu.dot_dimension_numbers<[1], [0], [0], [1], [0, 0, 1, 1], [], []>, precision = #tpu.contract_precision<fp32>, transpose_lhs_hint = false} : vector<776x11xf32>, vector<11x128xf32>, vector<776x128xf32> -> vector<776x128xf32>
    %add3A_116 = arith.addf %dot_general3A_110, %dot_general3A_115 : vector<776x128xf32>
    %get3A_117 = arith.constant 0 : index
    %get3A_118 = arith.constant 0 : index
    %get3A_119 = vector.load %arg2[%get3A_117, %get3A_118] : memref<7x128xf32, #tpu.memory_space<vmem>>, vector<7x128xf32>
    %dot_general3A_120 = arith.constant dense<0.000000e+00> : vector<776x128xf32>
    %dot_general3A_121 = tpu.matmul %convert_element_type3A_107, %get3A_119, %dot_general3A_120 {dimension_numbers = #tpu.dot_dimension_numbers<[1], [0], [0], [1], [0, 0, 1, 1], [], []>, precision = #tpu.contract_precision<fp32>, transpose_lhs_hint = false} : vector<776x7xf32>, vector<7x128xf32>, vector<776x128xf32> -> vector<776x128xf32>
    %add3A_122 = arith.addf %add3A_116, %dot_general3A_121 : vector<776x128xf32>
    %swap3A = arith.constant 0 : index
    %swap3A_123 = arith.constant 0 : index
    %swap3A_124 = vector.load %arg3[%swap3A, %swap3A_123] : memref<776x128xf32, #tpu.memory_space<vmem>>, vector<776x128xf32>
    tpu.vector_store %arg3[%swap3A, %swap3A_123], %add3A_122 {strides = array<i32>} : memref<776x128xf32, #tpu.memory_space<vmem>>, vector<776x128xf32>,
    return
  }
}

</mosaic_0001>

<sc_bundles>
// kernel: kernel.4.cloned.1.call-start
scs
__scs_entry_jumppad:
0x0: {  	(pc) =	sbr.rel $0x88, $3  }
0x1: {  	(tag) =	ssettag $0x0;
	lr =	simm.s32 $0x1  }
0x2: {  	[smem:$0x3F9D] =	sst lr;
	_ =	strace $0xD0000000  }
0x3: {  	_ = 	snop  }
0x4: {  	_ = 	snop  }
0x5: {  	_ = 	snop  }
0x6: {  	_ = 	snop  }
0x7: {  	_ = 	snop  }
__scs_overlays_trampoline_lowered:
0x8: {  	[smem:$0x3FAC] =	sst s0  }
0x9: {  	[smem:$0x3FAD] =	sst s1  }
0xa: {  	[smem:$0x3FAE] =	sst s2  }
0xb: {  	[smem:$0x3FAF] =	sst s3  }
0xc: {  	[smem:$0x3FB0] =	sst s4  }
0xd: {  	[smem:$0x3FB1] =	sst s5  }
0xe: {  	[smem:$0x3FB2] =	sst s6  }
0xf: {  	[smem:$0x3FB3] =	sst s7  }
0x10: {  	[smem:$0x3FB4] =	sst s8  }
0x11: {  	[smem:$0x3FB5] =	sst s9;
	s0 =	simm.s32 @!p0 $0x0  }
0x12: {  	s1 =	sld [smem:$0x3F9B];
	s0 =	simm.s32 @p0 $0x1  }
0x13: {  	[smem:$0x3FB6] =	sst s0;
	s0 =	simm.s32 @!p1 $0x0  }
0x14: {  	s2 =	sld [smem:$0x3F9A];
	s0 =	simm.s32 @p1 $0x1  }
0x15: {  	[smem:$0x3FB7] =	sst s0;
	s0 =	simm.s32 @!p2 $0x0  }
0x16: {  	s3 =	sld [smem:$0x3FDB];
	s0 =	simm.s32 @p2 $0x1  }
0x17: {  	s4 =	simm.s32 $0x1BF5;
	[smem:$0x3FB9] =	sst s0  }
0x18: {  	s0 =	sld [smem:$0x3F9C];
	_ =	swait.ge [sflag:s4], $0x0  }
0x19: {  	s7 =	sld [smem:$0x3F9D]  }
0x1a: {  	s8 =	sadd.s32 $0xFFFFE003, lr  }
0x1b: {  	s9 =	sadd.s32 $0xFFFFFEF7, lr;
	s5 =	simm.s32 $0xFFFFFFFF;
	p2 =	slt.u32 s8, $0xFFFFF086  }
0x1c: {  	p1 =	slt.u32 s9, $0xF7A;
	s5 =	simm.s32 @!p2 $0x0  }
0x1d: {  	s5 =	simm.s32 @p1 $0x1;
	p0 =	seq.s32 s7, s2  }
0x1e: {  	s7 =	smul.u32 @!p0 $0xF7A, s2;
	p2 =	seq.s32 @!p0 s5, $0x0  }
0x1f: {  	s9 =	smul.u32 $0xF7A, s1;
	s8 =	simm.s32 @!p0 $0x1BF5;
	p2 =	por !p2, p0  }
0x20: {  	[sflag:s8] =	ssyncset.s32 @!p0 $0xFFFFF086;
	s6 =	sadd.s32 @!p0 s3, s7;
	s7 =	simm.s32 @!p0 $0x108  }
0x21: {  	s3 =	sadd.s32 s3, s9;
	s6 =	sadd.s32 @!p0 $0x88, s6;
	s7 =	simm.s32 @p2 $0x1082  }
0x22: {  	[simem:s7], [sflag:s8] =	dma.local @!p0 [hbm:s6], $0xF7A  }
0x23: {  	s9 =	sor.u32 $0xD0000000, s2;
	s6 =	simm.s32 $0x108;
	_ =	swait.ge @!p0 [sflag:s8], $0x0  }
0x24: {  	s3 =	sadd.s32 $0x88, s3;
	s6 =	simm.s32 @!p1 $0x1082;
	[sflag:s4] =	ssyncset.s32 $0xFFFFF086  }
0x25: {  	[simem:s6], [sflag:s4] =	dma.local [hbm:s3], $0xF7A  }
0x26: {  	[smem:$0x3F9D] =	sst s1;
	(tag) =	ssettag s2;
	_ =	strace s9  }
0x27: {  	s1 =	sld [smem:$0x3FAD]  }
0x28: {  	s2 =	sld [smem:$0x3FAE]  }
0x29: {  	s4 =	sld [smem:$0x3FB0]  }
0x2a: {  	p0 =	seq.s32 s5, $0x0;
	s5 =	sld [smem:$0x3FB1]  }
0x2b: {  	s6 =	sld [smem:$0x3FB2]  }
0x2c: {  	s7 =	sld [smem:$0x3FB3]  }
0x2d: {  	s3 =	simm.s32 $0x108;
	s8 =	sld [smem:$0x3FB4]  }
0x2e: {  	s3 =	simm.s32 @!p0 $0x1082;
	s9 =	sld [smem:$0x3FB5]  }
0x2f: {  	lr =	sadd.s32 s0, s3;
	s0 =	sld [smem:$0x3FAC]  }
0x30: {  	s3 =	sld [smem:$0x3FAF]  }
0x31: {  	[smem:$0x3FB8] =	sst s10  }
0x32: {  	s10 =	sld [smem:$0x3FB6];
	_ =	sdelay $0x3  }
0x33: {  	p0 =	seq.s32 s10, $0x1;
	s10 =	sld [smem:$0x3FB8];
	_ =	sdelay $0x3  }
0x34: {  	[smem:$0x3FB8] =	sst s10  }
0x35: {  	s10 =	sld [smem:$0x3FB7];
	_ =	sdelay $0x3  }
0x36: {  	p1 =	seq.s32 s10, $0x1;
	s10 =	sld [smem:$0x3FB8];
	_ =	sdelay $0x3  }
0x37: {  	[smem:$0x3FB8] =	sst s10  }
0x38: {  	s10 =	sld [smem:$0x3FB9]  }
0x39: {  	_ = 	snop;
	(pc) =	sbr.ind lr, $3  }
0x3a: {  	_ = 	snop  }
0x3b: {  	_ = 	snop  }
0x3c: {  	p2 =	seq.s32 s10, $0x1;
	s10 =	sld [smem:$0x3FB8]  }
0x3d: {  	_ =	shalt  }
0x3e: {  	_ =	shalt  }
0x3f: {  	_ =	shalt  }
0x40: {  	_ =	shalt  }
0x41: {  	_ =	shalt  }
0x42: {  	_ =	shalt  }
0x43: {  	_ =	shalt  }
0x44: {  	_ =	shalt  }
0x45: {  	_ =	shalt  }
0x46: {  	_ =	shalt  }
0x47: {  	_ =	shalt  }
0x48: {  	_ =	shalt  }
0x49: {  	_ =	shalt  }
0x4a: {  	_ =	shalt  }
0x4b: {  	_ =	shalt  }
0x4c: {  	_ =	shalt  }
0x4d: {  	_ =	shalt  }
0x4e: {  	_ =	shalt  }
0x4f: {  	_ =	shalt  }
0x50: {  	_ =	shalt  }
0x51: {  	_ =	shalt  }
0x52: {  	_ =	shalt  }
0x53: {  	_ =	shalt  }
0x54: {  	_ =	shalt  }
0x55: {  	_ =	shalt  }
0x56: {  	_ =	shalt  }
0x57: {  	_ =	shalt  }
0x58: {  	_ =	shalt  }
0x59: {  	_ =	shalt  }
0x5a: {  	_ =	shalt  }
0x5b: {  	_ =	shalt  }
0x5c: {  	_ =	shalt  }
0x5d: {  	_ =	shalt  }
0x5e: {  	_ =	shalt  }
0x5f: {  	_ =	shalt  }
0x60: {  	_ =	shalt  }
0x61: {  	_ =	shalt  }
0x62: {  	_ =	shalt  }
0x63: {  	_ =	shalt  }
0x64: {  	_ =	shalt  }
0x65: {  	_ =	shalt  }
0x66: {  	_ =	shalt  }
0x67: {  	_ =	shalt  }
0x68: {  	_ =	shalt  }
0x69: {  	_ =	shalt  }
0x6a: {  	_ =	shalt  }
0x6b: {  	_ =	shalt  }
0x6c: {  	_ =	shalt  }
0x6d: {  	_ =	shalt  }
0x6e: {  	_ =	shalt  }
0x6f: {  	_ =	shalt  }
0x70: {  	_ =	shalt  }
0x71: {  	_ =	shalt  }
0x72: {  	_ =	shalt  }
0x73: {  	_ =	shalt  }
0x74: {  	_ =	shalt  }
0x75: {  	_ =	shalt  }
0x76: {  	_ =	shalt  }
0x77: {  	_ =	shalt  }
0x78: {  	_ =	shalt  }
0x79: {  	_ =	shalt  }
0x7a: {  	_ =	shalt  }
0x7b: {  	_ =	shalt  }
0x7c: {  	_ =	shalt  }
0x7d: {  	_ =	shalt  }
0x7e: {  	_ =	shalt  }
0x7f: {  	_ =	shalt  }
0x80: {  	_ =	shalt  }
0x81: {  	_ =	shalt  }
0x82: {  	_ =	shalt  }
0x83: {  	_ =	shalt  }
0x84: {  	_ =	shalt  }
0x85: {  	_ =	shalt  }
0x86: {  	_ =	shalt  }
0x87: {  	_ =	shalt  }
.Lfunc_end0:
.L_simem_size_0:
called_computation_lowered:
.L_overlay_start_0:
0x88: {  	s2 =	sld [smem:$0x3FD9]  }
0x89: {  	s3 =	sld [smem:$0x3FFE];
	_ =	sdelay $0x1  }
0x8a: {  	s1 =	srdreg.scid  }
0x8b: {  	s0 =	sand.u32 $0x1, s1  }
0x8c: {  	s17 =	sshll.u32 s0, $0xA;
	s2 =	sadd.s32 s3, s2  }
0x8d: {  	s2 =	sadd.s32 s2, s17  }
0x8e: {  	[smem:$0x3FC4] =	sst s2  }
0x8f: {  	_ = 	snop  }
0x90: {  	s2 =	sld [smem:$0x3FD0];
	(tm) =	ssettm $0x1  }
0x91: {  	s18 =	sld [smem:$0x3FFB];
	_ =	sdelay $0x3  }
0x92: {  	_ =	strace s18  }
0x93: {  	s3 =	sld [smem:$0x3FFC];
	_ =	sdelay $0x3  }
0x94: {  	_ =	strace s3  }
0x95: {  	s3 =	sld [smem:$0x3FFD];
	_ =	sdelay $0x3  }
0x96: {  	_ =	strace s3  }
0x97: {  	_ =	strace $0x8FFFFFFF  }
0x98: {  	s19 =	sld [smem:$0x3FDB];
	_ =	sdelay $0x1  }
0x99: {  	s4 =	simm.s32 $_scs_section_size  }
0x9a: {  	s5 =	simm.s32 $_size__tile_overlayer_lowered;
	s6 =	simm.s32 $_tile_overlayer_lowered  }
0x9b: {  	s22 =	simm.s32 $0x1BFF;
	s21 =	sshll.u32 s6, $0x1;
	s3 =	sadd.s32 s4, s19  }
0x9c: {  	s7 =	simm.s32 $0x0;
	s20 =	sshll.u32 s5, $0x1;
	s5 =	sadd.s32 s21, s3  }
0x9d: {  	[timem:s7], [sflag:s22] =	dma.local [hbm:s5], s20  }
0x9e: {  	_ =	swait.ge [sflag:s22], s20  }
0x9f: {  	s4 =	ssub.s32 $0x0, s20;
	[sflag:s22] =	ssyncset.done $0x0  }
0xa0: {  	[sflag:s22] =	ssyncadd.s32 s4;
	_ =	sdelay $0x1  }
0xa1: {  	s23 =	simm.s32 $0x1B8B  }
0xa2: {  	_ =	swait.ge [sflag:s23], $0x1  }
0xa3: {  	[sflag:s23] =	ssyncset.done $0x0  }
0xa4: {  	s25 =	simm.s32 $0x1B8E;
	s24 =	sld [smem:$0x3FFE];
	[sflag:s23] =	ssyncadd.s32 $0xFFFFFFFF  }
0xa5: {  	s26 =	simm.s32 $execute0_lowered;
	[smem:$0x3FD2] =	sst s25  }
0xa6: {  	s5 =	sshll.u32 s26, $0x1;
	_ =	strace $0x80000046;
	[dreg:$0x1] =	wrdreg $0xFFFFFFFF  }
0xa7: {  	s28 =	simm.s32 $_size_execute0_lowered;
	s3 =	sadd.s32 s3, s5;
	[dreg:$0x0] =	wrdreg $0x0  }
0xa8: {  	s5 =	sshll.u32 s28, $0x1;
	[dreg:$0x2] =	wrdreg s3  }
0xa9: {  	[dreg:$0x3] =	wrdreg s5  }
0xaa: {  	[dreg:$0x4] =	wrdreg $0xC0  }
0xab: {  	_ =	task [dreg:s7], $0x5FFFF  }
0xac: {  	[dreg:$0x1] =	wrdreg $0xFFFFFFFF  }
0xad: {  	[dreg:$0x0] =	wrdreg $0x60  }
0xae: {  	[dreg:$0x2] =	wrdreg s24  }
0xaf: {  	[dreg:$0x3] =	wrdreg s2  }
0xb0: {  	[dreg:$0x4] =	wrdreg $0x166000  }
0xb1: {  	[dreg:$0x5] =	wrdreg $0x9  }
0xb2: {  	_ =	task.clear_ibuf [dreg:s7], $0x6FFFF;
	_ =	strace $0x90000046  }
0xb3: {  	s29 =	simm.s32 $0x9;
	_ =	strace $0x80000048  }
0xb4: {  	_ =	swait.ge [sflag:s29], $0x1  }
0xb5: {  	[sflag:s29] =	ssyncadd.s32 $0xFFFFFFFF  }
0xb6: {  	_ =	strace $0x90000048  }
0xb7: {  	_ =	sfence  }
0xb8: {  	s30 =	sld [smem:$0x0];
	_ =	sdelay $0x2  }
0xb9: {  	s31 =	sshll.u32 s1, $0xD;
	s1 =	sshrl.u32 s1, $0x2  }
0xba: {  	s3 =	sand.u32 $0x4000, s31;
	s1 =	sadd.s32 s1, s30  }
0xbb: {  	s0 =	sor.u32 s3, s0;
	s1 =	sshll.u32 s1, $0x11  }
0xbc: {  	s0 =	sor.u32 s1, s0  }
0xbd: {  	s0 =	sadd.s32 $0x8F2B, s0  }
0xbe: {  	[sflag:s0] =	ssyncadd.remote.s32 $0x1  }
0xbf: {  	_ =	sfence.sel $0xFFFF  }
0xc0: {  	[dreg:$0x0] =	wrdreg $0xFFFFFFFF;
	(pc) =	sbr.abs _section_cstart, $3  }
0xc1: {  	[dreg:$0x1] =	wrdreg $0xFFFFFFFF  }
0xc2: {  	_ =	task.clear_ibuf [dreg:s7], $0x2FFFF;
	_ =	strace $0x9FFFFFFF  }
0xc3: {  	(tm) =	ssettm $0x7FFFFFFF  }
tec
execute0_lowered:
.L_overlay_start_1:
0x0: {  	(tag) =	ssettag $0x1  }
0x1: {  	s0 =	rddreg [dreg:$0x0]  }
0x2: {  	s7 =	rddreg [dreg:$0x1]  }
0x3: {  	s1 =	rddreg [dreg:$0x2];
	s3 =	srdreg.scid  }
0x4: {  	s10 =	stileid.u32;
	s2 =	simm.s32 $0x0;
	s14 =	simm.s32 $0x1  }
0x5: {  	s15 =	simm.s32 $0x80;
	s16 =	simm.s32 $0x7680;
	s17 =	simm.s32 $0x9E00  }
0x6: {  	s18 =	simm.s32 $0x48;
	s19 =	simm.s32 $0x7700;
	s20 =	simm.s32 $0xDE00  }
0x7: {  	s21 =	simm.s32 $0x7748;
	s22 =	simm.s32 $0x10200;
	s23 =	simm.s32 $0x77C8  }
0x8: {  	s24 =	simm.s32 $0x14200;
	s28 =	simm.s32 $0x4;
	s29 =	simm.s32 $0x0  }
0x9: {  	s6 =	sand.u32 $0x1, s3;
	s25 =	sshll.u32 s10, $0x1;
	s26 =	smul.u32 $0x4E200, s10  }
0xa: {  	[smem:$0x7FF] =	sst s2;
	s4 =	sor.u32 s6, s25;
	s31 =	smul.u32 $0x27100, s6  }
0xb: {  	s3 =	sadd.s32 $0x1DA00, s0;
	p0 =	sne.s32 s10, $0x0;
	s5 =	smul.u32 $0x2710, s4  }
0xc: {  	_ =	strace $0x80000047;
	s8 =	ssub.s32 $0x2, s6;
	s12 =	smul.u32 $0x138800, s4  }
0xd: {  	s25 =	simm.s32 $0x2;
	s9 =	smul.u32 $0x27100, s4;
	s11 =	sshrl.u32 s8, $0x1  }
0xe: {  	s11 =	ssub.s32 s8, s11;
	s5 =	sshrl.u32 s5, $0x3;
	s30 =	sshrl.u32 s12, $0x3  }
0xf: {  	s4 =	sadd.s32 s0, s5;
	s8 =	sadd.s32 s7, s30;
	s0 =	sadd.s32 s26, s7  }
0x10: {  	s7 =	sadd.s32 s7, s9;
	s9 =	smax.u32 s11, $0x1;
	s11 =	sshrl.u32 @!p0 s1, $0x3  }
0x11: {  	s26 =	simm.s32 $0x3;
	s5 =	sadd.s32 $0x13C00, s4;
	s0 =	sadd.s32 s31, s0  }
0x12: {  	s6 =	sadd.s32 $0x9E00, s4;
	s8 =	sadd.s32 $0xC80, s8;
	s0 =	sadd.s32 $0x2580, s0  }
.LBB2_1:
0x13: {  	s10 =	simm.s32 @!p0 $0x1C05  }
0x14: {  	[spmem:s11], [sflag:s10] =	dma.local @!p0 [hbm:s3], $0x3080  }
0x15: {  	s10 =	simm.s32 @!p0 $0x5  }
0x16: {  	_ =	swait.ge @!p0 [sflag:s10], $0x3080  }
0x17: {  	[sflag:s10] =	ssyncset.done @!p0 $0x0  }
0x18: {  	[sflag:s10] =	ssyncadd.s32 @!p0 $0xFFFFCF80  }
0x19: {  	[tilespmem:s2], [sflag:$0x1] =	stream.linear.gather [hbm4b:s5+s2], $0x2710, $0x38;
	[tilespmem:$0x17E40] =	vst v63  }
0x1a: {  	s13 =	simm.s32 $0x2780  }
0x1b: {  	[tilespmem:s13], [sflag:$0x1] =	stream.linear.gather [hbm4b:s6+s2], $0x2710, $0x38;
	[tilespmem:$0x17E40] =	vst v63  }
0x1c: {  	s31 =	simm.s32 $0x4F00  }
0x1d: {  	[tilespmem:s31], [sflag:$0x1] =	stream.linear.gather [hbm4b:s4+s2], $0x2710, $0x38;
	[tilespmem:$0x17E40] =	vst v63  }
0x1e: {  	_ =	swait.ge [sflag:s14], $0x2710  }
0x1f: {  	[sflag:s14] =	ssyncset.done $0x0  }
0x20: {  	[sflag:s14] =	ssyncadd.s32 $0xFFFFD8F0  }
0x21: {  	_ =	swait.ge [sflag:s14], $0x2710  }
0x22: {  	[sflag:s14] =	ssyncset.done $0x0  }
0x23: {  	[sflag:s14] =	ssyncadd.s32 $0xFFFFD8F0  }
0x24: {  	_ =	swait.ge [sflag:s14], $0x2710  }
0x25: {  	[sflag:s14] =	ssyncset.done $0x0  }
0x26: {  	s10 =	simm.s32 $0x0;
	[sflag:s14] =	ssyncadd.s32 $0xFFFFD8F0  }
0x27: {  	v0 =	vld [tilespmem:s10+$0x0]  }
0x28: {  	v1 =	vld [tilespmem:s10+$0x2780];
	_ =	sdelay $0x2  }
0x29: {  	s30 =	simm.s32 $0x40;
	v2 =	vld [tilespmem:s10+$0x4F00]  }
.LBB2_2:
0x2a: {  	s31 =	sshra.s32 s30, $0x2;
	p1 =	sne.s32 s30, $0x600  }
.Ltmp0:
0x2b: {  	s30 =	sadd.s32 $0x40, s30;
	v3 =	vmul.u32 $0x4D, v0;
	v0 =	vld [tilespmem:s31+$0x0];
	v4 =	vmul.u32 $0x7, v1;
	(pc) =	sbr.rel @p1 .LBB2_2-.Ltmp0, $4  }
0x2c: {  	v1 =	vld [tilespmem:s31+$0x2780]  }
0x2d: {  	v3 =	vadd.s32 v3, v4  }
0x2e: {  	v3 =	vadd.s32 v2, v3  }
0x2f: {  	v2 =	vld [tilespmem:s31+$0x4F00];
	[tilespmem:s10+$0x7680] =	vst v3;
	s10 =	smov.u32 s31  }
0x30: {  	_ = 	snop  }
0x31: {  	v0 =	vmul.u32 $0x4D, v0;
	v1 =	vmul.u32 $0x7, v1;
	_ =	sdelay $0x1  }
0x32: {  	v0 =	vadd.s32 v0, v1  }
0x33: {  	v0 =	vadd.s32 v2, v0  }
0x34: {  	[tilespmem:s10+$0x7680] =	vst v0  }
0x35: {  	[bflag:$0x0] =	sbarrier.arrive $0xFFFF  }
0x36: {  	[tilespmem:s17], [sflag:$0x1] =	stream.indirect.gather [spmem:s1], $0x80, s16, s15, $0xb8;
	[tilespmem:$0x17E40] =	vst v63  }
0x37: {  	_ = 	snop  }
0x38: {  	[tilespmem:s20], [sflag:$0x1] =	stream.indirect.gather [spmem:s1], $0x80, s19, s18, $0xb8;
	[tilespmem:$0x17E40] =	vst v63  }
0x39: {  	_ = 	snop  }
0x3a: {  	[tilespmem:s22], [sflag:$0x2] =	stream.indirect.gather [spmem:s1], $0x80, s21, s15, $0xb8;
	[tilespmem:$0x17E40] =	vst v63  }
0x3b: {  	s10 =	simm.s32 $0x190  }
0x3c: {  	[tilespmem:s24], [sflag:$0x2] =	stream.indirect.gather [spmem:s1], $0x80, s23, s18, $0xb8;
	[tilespmem:$0x17E40] =	vst v63  }
0x3d: {  	v0 =	vld [tilespmem:s10+$0x0]  }
0x3e: {  	v1 =	vld [tilespmem:s10+$0x2780];
	_ =	sdelay $0x2  }
0x3f: {  	s30 =	simm.s32 $0x680;
	v2 =	vld [tilespmem:s10+$0x4F00]  }
.LBB2_4:
0x40: {  	s31 =	sshra.s32 s30, $0x2;
	p1 =	sne.s32 s30, $0x9C00  }
.Ltmp1:
0x41: {  	s30 =	sadd.s32 $0x40, s30;
	v3 =	vmul.u32 $0x4D, v0;
	v0 =	vld [tilespmem:s31+$0x0];
	v4 =	vmul.u32 $0x7, v1;
	(pc) =	sbr.rel @p1 .LBB2_4-.Ltmp1, $4  }
0x42: {  	v1 =	vld [tilespmem:s31+$0x2780]  }
0x43: {  	v3 =	vadd.s32 v3, v4  }
0x44: {  	v3 =	vadd.s32 v2, v3  }
0x45: {  	v2 =	vld [tilespmem:s31+$0x4F00];
	[tilespmem:s10+$0x7680] =	vst v3;
	s10 =	smov.u32 s31  }
0x46: {  	_ = 	snop  }
0x47: {  	v0 =	vmul.u32 $0x4D, v0;
	v1 =	vmul.u32 $0x7, v1;
	_ =	sdelay $0x1  }
0x48: {  	v0 =	vadd.s32 v0, v1  }
0x49: {  	v0 =	vadd.s32 v2, v0  }
0x4a: {  	[tilespmem:s10+$0x7680] =	vst v0  }
0x4b: {  	_ =	swait.ge [sflag:s14], $0x4000  }
0x4c: {  	[sflag:s14] =	ssyncset.done $0x0  }
0x4d: {  	[sflag:s14] =	ssyncadd.s32 $0xFFFFC000  }
0x4e: {  	_ =	swait.ge [sflag:s14], $0x2400  }
0x4f: {  	[sflag:s14] =	ssyncset.done $0x0  }
0x50: {  	s12 =	simm.s32 $0x0;
	[sflag:s14] =	ssyncadd.s32 $0xFFFFDC00  }
0x51: {  	[hbm4b:s7+s12] =	stream.linear.scatter [tilespmem:s17], [sflag:$0x3], $0x6400, $0x38;
	[tilespmem:$0x17E40] =	vst v63  }
0x52: {  	_ =	swait.ge [sflag:s25], $0x4000  }
0x53: {  	[sflag:s25] =	ssyncset.done $0x0  }
0x54: {  	[sflag:s25] =	ssyncadd.s32 $0xFFFFC000  }
0x55: {  	_ =	swait.ge [sflag:s25], $0x2400  }
0x56: {  	[sflag:s25] =	ssyncset.done $0x0  }
0x57: {  	[sflag:s25] =	ssyncadd.s32 $0xFFFFDC00  }
0x58: {  	[hbm4b:s8+s12] =	stream.linear.scatter [tilespmem:s22], [sflag:$0x4], $0x6400, $0x38;
	[tilespmem:$0x17E40] =	vst v63  }
0x59: {  	_ =	swait.ge [sflag:s26], $0x6400  }
0x5a: {  	[sflag:s26] =	ssyncset.done $0x0  }
0x5b: {  	s13 =	simm.s32 $0x7810;
	[sflag:s26] =	ssyncadd.s32 $0xFFFF9C00  }
0x5c: {  	[tilespmem:s17], [sflag:$0x1] =	stream.indirect.gather [spmem:s1], $0x80, s13, s15, $0xb8;
	[tilespmem:$0x17E40] =	vst v63  }
0x5d: {  	s12 =	simm.s32 $0x7890  }
0x5e: {  	[tilespmem:s20], [sflag:$0x1] =	stream.indirect.gather [spmem:s1], $0x80, s12, s18, $0xb8;
	[tilespmem:$0x17E40] =	vst v63  }
0x5f: {  	_ =	swait.ge [sflag:s28], $0x6400  }
0x60: {  	[sflag:s28] =	ssyncset.done $0x0  }
0x61: {  	s13 =	simm.s32 $0x78D8;
	[sflag:s28] =	ssyncadd.s32 $0xFFFF9C00  }
0x62: {  	[tilespmem:s22], [sflag:$0x2] =	stream.indirect.gather [spmem:s1], $0x80, s13, s15, $0xb8;
	[tilespmem:$0x17E40] =	vst v63  }
0x63: {  	s12 =	simm.s32 $0x7958  }
0x64: {  	[tilespmem:s24], [sflag:$0x2] =	stream.indirect.gather [spmem:s1], $0x80, s12, s18, $0xb8;
	[tilespmem:$0x17E40] =	vst v63  }
0x65: {  	_ =	swait.ge [sflag:s14], $0x4000  }
0x66: {  	[sflag:s14] =	ssyncset.done $0x0  }
0x67: {  	[sflag:s14] =	ssyncadd.s32 $0xFFFFC000  }
0x68: {  	_ =	swait.ge [sflag:s14], $0x2400  }
0x69: {  	[sflag:s14] =	ssyncset.done $0x0  }
0x6a: {  	s13 =	sadd.s32 $0xFFFFF380, s0;
	[sflag:s14] =	ssyncadd.s32 $0xFFFFDC00  }
0x6b: {  	[hbm4b:s13+s2] =	stream.linear.scatter [tilespmem:s17], [sflag:$0x3], $0x6400, $0x38;
	[tilespmem:$0x17E40] =	vst v63  }
0x6c: {  	_ =	swait.ge [sflag:s25], $0x4000  }
0x6d: {  	[sflag:s25] =	ssyncset.done $0x0  }
0x6e: {  	[sflag:s25] =	ssyncadd.s32 $0xFFFFC000  }
0x6f: {  	_ =	swait.ge [sflag:s25], $0x2400  }
0x70: {  	s30 =	simm.s32 $0x640;
	[sflag:s25] =	ssyncset.done $0x0  }
0x71: {  	s31 =	sadd.s32 $0x1900, s0;
	s10 =	smov.u32 s0;
	[sflag:s25] =	ssyncadd.s32 $0xFFFFDC00  }
.LBB2_6:
0x72: {  	[hbm4b:s10+s2] =	stream.linear.scatter [tilespmem:s22], [sflag:$0x4], $0x6400, $0x38;
	[tilespmem:$0x17E40] =	vst v63  }
0x73: {  	s12 =	smov.u32 s30;
	s10 =	smov.u32 s31  }
0x74: {  	p1 =	sne.s32 s30, $0x8FC0;
	s30 =	sadd.s32 $0x640, s30;
	_ =	swait.ge [sflag:s26], $0x6400  }
0x75: {  	s12 =	sshra.s32 s12, $0x2;
	[sflag:s26] =	ssyncset.done $0x0  }
0x76: {  	s13 =	sadd.s32 $0x7810, s12;
	[sflag:s26] =	ssyncadd.s32 $0xFFFF9C00  }
0x77: {  	[tilespmem:s17], [sflag:$0x1] =	stream.indirect.gather [spmem:s1], $0x80, s13, s15, $0xb8;
	[tilespmem:$0x17E40] =	vst v63  }
0x78: {  	s13 =	sadd.s32 $0x7890, s12  }
0x79: {  	[tilespmem:s20], [sflag:$0x1] =	stream.indirect.gather [spmem:s1], $0x80, s13, s18, $0xb8;
	[tilespmem:$0x17E40] =	vst v63  }
0x7a: {  	_ =	swait.ge [sflag:s28], $0x6400  }
0x7b: {  	[sflag:s28] =	ssyncset.done $0x0  }
0x7c: {  	s13 =	sadd.s32 $0x78D8, s12;
	[sflag:s28] =	ssyncadd.s32 $0xFFFF9C00  }
0x7d: {  	[tilespmem:s22], [sflag:$0x2] =	stream.indirect.gather [spmem:s1], $0x80, s13, s15, $0xb8;
	[tilespmem:$0x17E40] =	vst v63  }
0x7e: {  	s12 =	sadd.s32 $0x7958, s12  }
0x7f: {  	[tilespmem:s24], [sflag:$0x2] =	stream.indirect.gather [spmem:s1], $0x80, s12, s18, $0xb8;
	[tilespmem:$0x17E40] =	vst v63  }
0x80: {  	_ =	swait.ge [sflag:s14], $0x4000  }
0x81: {  	[sflag:s14] =	ssyncset.done $0x0  }
0x82: {  	[sflag:s14] =	ssyncadd.s32 $0xFFFFC000  }
0x83: {  	_ =	swait.ge [sflag:s14], $0x2400  }
0x84: {  	[sflag:s14] =	ssyncset.done $0x0  }
0x85: {  	s12 =	sadd.s32 $0xFFFFF380, s31;
	[sflag:s14] =	ssyncadd.s32 $0xFFFFDC00  }
0x86: {  	[hbm4b:s12+s2] =	stream.linear.scatter [tilespmem:s17], [sflag:$0x3], $0x6400, $0x38;
	[tilespmem:$0x17E40] =	vst v63  }
0x87: {  	_ =	swait.ge [sflag:s25], $0x4000  }
.Ltmp2:
0x88: {  	[sflag:s25] =	ssyncset.done $0x0;
	(pc) =	sbr.rel @p1 .LBB2_6-.Ltmp2, $4  }
0x89: {  	[sflag:s25] =	ssyncadd.s32 $0xFFFFC000  }
0x8a: {  	_ =	swait.ge [sflag:s25], $0x2400  }
0x8b: {  	[sflag:s25] =	ssyncset.done $0x0  }
0x8c: {  	s31 =	sadd.s32 $0x1900, s31;
	[sflag:s25] =	ssyncadd.s32 $0xFFFFDC00  }
0x8d: {  	[hbm4b:s10+s2] =	stream.linear.scatter [tilespmem:s22], [sflag:$0x4], $0x6400, $0x38;
	[tilespmem:$0x17E40] =	vst v63  }
0x8e: {  	s29 =	sadd.s32 $0x1, s29  }
0x8f: {  	_ =	swait.ge [sflag:s26], $0x6400;
	p1 =	sne.s32 s29, s9  }
.Ltmp3:
0x90: {  	[sflag:s26] =	ssyncset.done $0x0;
	(pc) =	sbr.rel @p1 .LBB2_1-.Ltmp3, $4  }
0x91: {  	[sflag:s26] =	ssyncadd.s32 $0xFFFF9C00  }
0x92: {  	_ =	swait.ge [sflag:s28], $0x6400  }
0x93: {  	[sflag:s28] =	ssyncset.done $0x0  }
0x94: {  	[sflag:s28] =	ssyncadd.s32 $0xFFFF9C00  }
0x95: {  	_ =	sfence.sel $0x180000  }
0x96: {  	[bflag:$0x0] =	sbarrier.arrive $0xFFFF  }
0x97: {  	_ =	strace $0x90000047  }
0x98: {  	[bflag:$0x2] =	sbarrier.arrive $0xFFFF  }
0x99: {  	s0 =	rddreg [dreg:$0x3]  }
0x9a: {  	s0 =	sadd.s32 @!p0 $0x100000, s0  }
0x9b: {  	[sflag:s0] =	ssyncadd.tile.s32 @!p0 $0x1;
	_ =	shalt  }
.Lfunc_end2:
_tile_overlayer_lowered:
.L_overlay_start_2:
0x9c: {  	(tag) =	ssettag $0x2  }
0x9d: {  	s0 =	rddreg [dreg:$0x0];
	s2 =	stileid.u32  }
0x9e: {  	s1 =	rddreg [dreg:$0x1];
	p0 =	sne.s32 s2, $0x0  }
0x9f: {  	s3 =	rddreg [dreg:$0x2];
	[bflag:$0x3] =	sbarrier.arrive $0xFFFF;
	s2 =	simm.s32 @!p0 $0x1C05  }
0xa0: {  	[timem:s3], [sflag:s2] =	dma.local @!p0 [hbm:s0], s1  }
0xa1: {  	s0 =	simm.s32 @!p0 $0x5  }
0xa2: {  	_ =	swait.ge @!p0 [sflag:s0], s1  }
0xa3: {  	s1 =	ssub.s32 @!p0 $0x0, s1;
	[sflag:s0] =	ssyncset.done @!p0 $0x0  }
0xa4: {  	[sflag:s0] =	ssyncadd.s32 @!p0 s1  }
0xa5: {  	[bflag:$0x3] =	sbarrier.arrive $0xFFFF  }
0xa6: {  	_ =	shalt  }

</sc_bundles>
